<compile_context>
chip_gen: v7x
topology: tpu7x:2x2x1
jax: 0.10.2.dev20260603
libtpu: 0.0.44.dev20260713+nightly
codegen_flags: <defaults>
</compile_context>

<pallas_src>
import functools

import jax
import jax.numpy as jnp
from jax import lax
from jax.experimental import pallas as pl
from jax.experimental.pallas import tpu as pltpu
from jax.experimental.pallas import tpu_sc as plsc

_N_TOK = 39
_N_POS = 50
_D = 32
_N_X = 16384
_ROWS = _N_X * _N_POS
_PB = 5
_LANES = 16


def _prep_body(x_ref, e_ref, pe_ref, idx_ref, tbl_ref):
    @pl.when(pl.program_id(0) == 0)
    def _():
        tbl_ref[...] = e_ref[...][:, None, :] + pe_ref[...]

    pos = lax.broadcasted_iota(jnp.int32, x_ref.shape, 1)
    idx_ref[...] = x_ref[...] * _N_POS + pos


def _sc_gather_t(tbl, idx1d):
    info = plsc.get_sparse_core_info()
    nw = info.num_cores * info.num_subcores
    rows_w = _ROWS // nw
    n_units = 4 * (_N_POS // _PB)
    u_rows = _PB * 128

    mesh = plsc.VectorSubcoreMesh(core_axis_name="c", subcore_axis_name="s")

    @functools.partial(
        pl.kernel,
        mesh=mesh,
        out_type=jax.ShapeDtypeStruct((_N_POS, 4, 128, 8, 128), jnp.float32),
        compiler_params=pltpu.CompilerParams(
            use_tc_tiling_on_sc=False, needs_layout_passes=False),
        scratch_types=[
            pltpu.VMEM((rows_w,), jnp.int32),
            pltpu.VMEM((u_rows,), jnp.int32),
            pltpu.VMEM((u_rows,), jnp.int32),
            pltpu.VMEM((u_rows, _D), jnp.float32),
            pltpu.VMEM((u_rows, _D), jnp.float32),
            pltpu.VMEM((_PB, 4, 8, 129), jnp.float32),
            pltpu.SemaphoreType.DMA,
            pltpu.SemaphoreType.DMA,
            pltpu.SemaphoreType.DMA,
            pltpu.SemaphoreType.DMA,
        ],
    )
    def k(tbl_hbm, idx_hbm, out_hbm, idx_v, gl_a, gl_b, gb_a, gb_b, tb,
          gsem_a, gsem_b, osem_a, osem_b):
        wid = lax.axis_index("s") * info.num_cores + lax.axis_index("c")
        pltpu.sync_copy(idx_hbm.at[pl.ds(wid * rows_w, rows_w)], idx_v)
        lane = lax.iota(jnp.int32, _LANES)
        zero = lane * 0
        trv_lo = lane // 8
        trv_hi = trv_lo + 2
        sv = lane % 8

        def build_gl(u, gl):
            tc = u // 10
            pb = u % 10
            base_u = tc * (128 * _N_POS) + _PB * pb
            src0 = lane * _N_POS

            def bg(g, _):
                for p in range(_PB):
                    src = src0 + (base_u + g * (_LANES * _N_POS) + p)
                    v = plsc.load_gather(idx_v, [src])
                    gl[pl.ds(p * 128 + g * _LANES, _LANES)] = v
                return 0

            lax.fori_loop(0, 128 // _LANES, bg, 0)

        def fire(gl, gb, sem):
            return [
                pltpu.async_copy(tbl_hbm.at[gl.at[pl.ds(p * 128, 128)]],
                                 gb.at[pl.ds(p * 128, 128)], sem)
                for p in range(_PB)
            ]

        def transpose(gb):
            def tt(u, _):
                p = u // 16
                l0 = (u % 16) * 8
                pv = zero + p
                for j in range(8):
                    l = l0 + j
                    row = p * 128 + l
                    lv = zero + l
                    va = gb[row, pl.ds(0, _LANES)]
                    vb = gb[row, pl.ds(_LANES, _LANES)]
                    plsc.store_scatter(tb, [pv, trv_lo, sv, lv], va)
                    plsc.store_scatter(tb, [pv, trv_hi, sv, lv], vb)
                return 0

            lax.fori_loop(0, _PB * 16, tt, 0)

        def out_dma(u, sem):
            tc = u // 10
            pb = u % 10
            return pltpu.async_copy(
                tb.at[:, :, :, pl.ds(0, 128)],
                out_hbm.at[pl.ds(_PB * pb, _PB), :, wid * 4 + tc], sem)

        def drain_b():
            pltpu.make_async_copy(
                out_hbm.at[pl.ds(0, _PB), :, 0],
                tb.at[:, :, :, pl.ds(0, 128)], osem_b).wait()

        def body(t, _):
            u_a = 2 * t
            u_b = 2 * t + 1
            build_gl(u_a, gl_a)
            d_a = fire(gl_a, gb_a, gsem_a)
            build_gl(u_b, gl_b)
            d_b = fire(gl_b, gb_b, gsem_b)
            for d in d_a:
                d.wait()

            @pl.when(t > 0)
            def _():
                drain_b()

            transpose(gb_a)
            o_a = out_dma(u_a, osem_a)
            for d in d_b:
                d.wait()
            o_a.wait()
            transpose(gb_b)
            out_dma(u_b, osem_b)
            return 0

        lax.fori_loop(0, n_units // 2, body, 0)
        drain_b()

    return k(tbl, idx1d)


def kernel(x, embed_weight, pe):
    x = x.astype(jnp.int32)
    idx, tbl3 = pl.pallas_call(
        _prep_body,
        grid=(16,),
        in_specs=[
            pl.BlockSpec((_N_X // 16, _N_POS), lambda i: (i, 0)),
            pl.BlockSpec((_N_TOK, _D), lambda i: (0, 0)),
            pl.BlockSpec((1, _N_POS, _D), lambda i: (0, 0, 0)),
        ],
        out_specs=(
            pl.BlockSpec((_N_X // 16, _N_POS), lambda i: (i, 0)),
            pl.BlockSpec((_N_TOK, _N_POS, _D), lambda i: (0, 0, 0)),
        ),
        out_shape=(
            jax.ShapeDtypeStruct((_N_X, _N_POS), jnp.int32),
            jax.ShapeDtypeStruct((_N_TOK, _N_POS, _D), jnp.float32),
        ),
    )(x, embed_weight, pe)
    tbl = tbl3.reshape(_N_TOK * _N_POS, _D)
    out5 = _sc_gather_t(tbl, idx.reshape(_ROWS))
    return out5.transpose(2, 4, 0, 1, 3).reshape(_N_X, _N_POS, _D)

# --- scband reference (transcript-rebuilt; emitter-appended) ---
"""Pipeline reference for scband-position-embedding-17463337026074 (READ-ONLY COPY).

The authoritative reference and input builder live on the scoring server;
editing this copy changes nothing except your own understanding.
"""

import jax, jax.numpy as jnp
import numpy as np
import math


def _make_pe():
    pe = np.empty((50, 32), dtype=np.float32)
    for i in range(50):
        for j in range(32):
            fenmu = 10000.0 ** (j / 32)
            v = i / fenmu
            pe[i, j] = math.sin(v) if j % 2 == 0 else math.cos(v)
    return jnp.asarray(pe)[None, :, :]


def setup_inputs(seed: int = 0) -> dict:
    key = jax.random.key(seed)
    k1, k2 = jax.random.split(key)
    x = jax.random.randint(k1, (16384, 50), 0, 39)
    embed_weight = jax.random.normal(k2, (39, 32), dtype=jnp.float32) * 0.1
    pe = _make_pe()
    return {"x": x, "embed_weight": embed_weight, "pe": pe}


def reference(x, embed_weight, pe):
    embed = jnp.take(embed_weight, x, axis=0)
    embed = embed + pe
    return embed

if __name__ == "__main__":
    import jax
    _d = setup_inputs()
    print(jax.jit(kernel)(*tuple(_d.values())))

</pallas_src>

<mosaic_0001>
#map = affine_map<(d0, d1) -> (0, 0)>
#map1 = affine_map<(d0, d1) -> (0)>
#map2 = affine_map<(d0, d1) -> (0, 0, 0, 0, 0)>
module attributes {stable_mosaic.version = 14 : i64} {
  func.func @k(%arg0: i32, %arg1: i32, %arg2: memref<1950x32xf32, #tpu.memory_space<hbm>>, %arg3: memref<819200xi32, #tpu.memory_space<hbm>>, %arg4: memref<50x4x128x8x128xf32, #tpu.memory_space<hbm>>, %arg5: memref<25600xi32, #tpu.memory_space<vmem>>, %arg6: memref<640xi32, #tpu.memory_space<vmem>>, %arg7: memref<640xi32, #tpu.memory_space<vmem>>, %arg8: memref<640x32xf32, #tpu.memory_space<vmem>>, %arg9: memref<640x32xf32, #tpu.memory_space<vmem>>, %arg10: memref<5x4x8x129xf32, #tpu.memory_space<vmem>>, %arg11: memref<!tpu.dma_semaphore, #tpu.memory_space<semaphore_mem>>, %arg12: memref<!tpu.dma_semaphore, #tpu.memory_space<semaphore_mem>>, %arg13: memref<!tpu.dma_semaphore, #tpu.memory_space<semaphore_mem>>, %arg14: memref<!tpu.dma_semaphore, #tpu.memory_space<semaphore_mem>>) attributes {dimension_semantics = [#tpu.dimension_semantics<core_parallel>, #tpu.dimension_semantics<subcore_parallel>], iteration_bounds = array<i64: 2, 16>, scalar_prefetch = 0 : i64, scratch_operands = 10 : i64, tpu.core_type = #tpu.core_type<sc_vector_subcore>, window_params = [{transform_indices = #map}, {transform_indices = #map1}, {transform_indices = #map2}]} {
    %mul3A = arith.constant 2 : i32
    %mul3A_0 = arith.muli %arg1, %mul3A : i32
    %add3A = arith.addi %mul3A_0, %arg0 : i32
    %mul3A_1 = arith.constant 25600 : i32
    %mul3A_2 = arith.muli %add3A, %mul3A_1 : i32
    "tpu.region"() ({
      %run_scoped3A = tpu.sem_alloc : memref<!tpu.dma_semaphore, #tpu.memory_space<semaphore_mem>>
      %dma_start3A = tpu.memref_slice %arg3[%mul3A_2] : memref<819200xi32, #tpu.memory_space<hbm>> -> memref<25600xi32, #tpu.memory_space<hbm>>
      %dma_start3A_80 = tpu.memref_slice %arg3[%mul3A_2] : memref<819200xi32, #tpu.memory_space<hbm>> -> memref<25600xi32, #tpu.memory_space<hbm>>
      tpu.enqueue_dma source(%dma_start3A_80 : memref<25600xi32, #tpu.memory_space<hbm>>) target(%arg5 : memref<25600xi32, #tpu.memory_space<vmem>>) target_semaphore(%run_scoped3A : memref<!tpu.dma_semaphore, #tpu.memory_space<semaphore_mem>>)
      %dma_wait3A_81 = tpu.memref_slice %arg3[%mul3A_2] : memref<819200xi32, #tpu.memory_space<hbm>> -> memref<25600xi32, #tpu.memory_space<hbm>>
      %dma_wait3A_82 = tpu.memref_slice %arg3[%mul3A_2] : memref<819200xi32, #tpu.memory_space<hbm>> -> memref<25600xi32, #tpu.memory_space<hbm>>
      tpu.wait_dma2 semaphore(%run_scoped3A : memref<!tpu.dma_semaphore, #tpu.memory_space<semaphore_mem>>) src(%dma_wait3A_82 : memref<25600xi32, #tpu.memory_space<hbm>>) dst(%arg5 : memref<25600xi32, #tpu.memory_space<vmem>>)
      tpu.yield
    }) : () -> ()
    %iota3A = tpu.iota {dimensions = array<i32: 0>} : vector<16xi32>
    %mul3A_3 = arith.constant 0 : i32
    %mul3A_4 = vector.broadcast %mul3A_3 : i32 to vector<16xi32>
    %mul3A_5 = arith.muli %iota3A, %mul3A_4 : vector<16xi32>
    %jit3A = arith.constant 8 : i32
    %div3A = vector.broadcast %jit3A : i32 to vector<16xi32>
    %div3A_6 = arith.divsi %iota3A, %div3A : vector<16xi32>
    %sign3A = arith.constant 0 : i32
    %sign3A_7 = vector.broadcast %sign3A : i32 to vector<16xi32>
    %sign3A_8 = arith.cmpi sgt, %iota3A, %sign3A_7 : vector<16xi32>
    %sign3A_9 = arith.extui %sign3A_8 : vector<16xi1> to vector<16xi32>
    %sign3A_10 = arith.constant 0 : i32
    %sign3A_11 = vector.broadcast %sign3A_10 : i32 to vector<16xi32>
    %sign3A_12 = arith.cmpi slt, %iota3A, %sign3A_11 : vector<16xi32>
    %sign3A_13 = arith.extui %sign3A_12 : vector<16xi1> to vector<16xi32>
    %sign3A_14 = arith.subi %sign3A_9, %sign3A_13 : vector<16xi32>
    %sign3A_15 = arith.constant 0 : i32
    %sign3A_16 = arith.cmpi sgt, %jit3A, %sign3A_15 : i32
    %sign3A_17 = arith.extui %sign3A_16 : i1 to i32
    %sign3A_18 = arith.constant 0 : i32
    %sign3A_19 = arith.cmpi slt, %jit3A, %sign3A_18 : i32
    %sign3A_20 = arith.extui %sign3A_19 : i1 to i32
    %sign3A_21 = arith.subi %sign3A_17, %sign3A_20 : i32
    %ne3A = vector.broadcast %sign3A_21 : i32 to vector<16xi32>
    %ne3A_22 = arith.cmpi ne, %sign3A_14, %ne3A : vector<16xi32>
    %rem3A = vector.broadcast %jit3A : i32 to vector<16xi32>
    %rem3A_23 = arith.remsi %iota3A, %rem3A : vector<16xi32>
    %ne3A_24 = arith.constant 0 : i32
    %ne3A_25 = vector.broadcast %ne3A_24 : i32 to vector<16xi32>
    %ne3A_26 = arith.cmpi ne, %rem3A_23, %ne3A_25 : vector<16xi32>
    %and3A = arith.andi %ne3A_22, %ne3A_26 : vector<16xi1>
    %sub3A = arith.constant 1 : i32
    %sub3A_27 = vector.broadcast %sub3A : i32 to vector<16xi32>
    %sub3A_28 = arith.subi %div3A_6, %sub3A_27 : vector<16xi32>
    %select_n3A = arith.select %and3A, %sub3A_28, %div3A_6 : vector<16xi1>, vector<16xi32>
    %add3A_29 = arith.constant 2 : i32
    %add3A_30 = vector.broadcast %add3A_29 : i32 to vector<16xi32>
    %add3A_31 = arith.addi %select_n3A, %add3A_30 : vector<16xi32>
    %jit3A_32 = arith.constant 8 : i32
    %eq3A = arith.constant 0 : i32
    %eq3A_33 = arith.cmpi eq, %jit3A_32, %eq3A : i32
    %jit3A_34 = arith.constant 1 : i32
    %select_n3A_35 = arith.select %eq3A_33, %jit3A_34, %jit3A_32 : i32
    %rem3A_36 = vector.broadcast %select_n3A_35 : i32 to vector<16xi32>
    %rem3A_37 = arith.remsi %iota3A, %rem3A_36 : vector<16xi32>
    %ne3A_38 = arith.constant 0 : i32
    %ne3A_39 = vector.broadcast %ne3A_38 : i32 to vector<16xi32>
    %ne3A_40 = arith.cmpi ne, %rem3A_37, %ne3A_39 : vector<16xi32>
    %lt3A = arith.constant 0 : i32
    %lt3A_41 = vector.broadcast %lt3A : i32 to vector<16xi32>
    %lt3A_42 = arith.cmpi slt, %rem3A_37, %lt3A_41 : vector<16xi32>
    %lt3A_43 = arith.constant 0 : i32
    %lt3A_44 = arith.cmpi slt, %select_n3A_35, %lt3A_43 : i32
    %ne3A_45 = vector.broadcast %lt3A_44 : i1 to vector<16xi1>
    %ne3A_46 = vector.broadcast %ne3A_45 : vector<16xi1> to vector<16xi1>
    %ne3A_47 = arith.xori %lt3A_42, %ne3A_46 : vector<16xi1>
    %and3A_48 = arith.andi %ne3A_47, %ne3A_40 : vector<16xi1>
    %add3A_49 = vector.broadcast %select_n3A_35 : i32 to vector<16xi32>
    %add3A_50 = arith.addi %rem3A_37, %add3A_49 : vector<16xi32>
    %select_n3A_51 = arith.select %and3A_48, %add3A_50, %rem3A_37 : vector<16xi1>, vector<16xi32>
    %scan3A = arith.constant 0 : i32
    %scan3A_52 = arith.constant 0 : i32
    %scan3A_53 = arith.constant 20 : i32
    %scan3A_54 = arith.addi %scan3A_52, %scan3A_53 : i32
    %scan3A_55 = arith.constant 1 : i32
    %scan3A_56 = scf.for %scan3A_80 = %scan3A_52 to %scan3A_54 step %scan3A_55 iter_args(%scan3A_81 = %scan3A) -> (i32)  : i32 {
      %mul3A_82 = arith.constant 2 : i32
      %mul3A_83 = arith.muli %mul3A_82, %scan3A_80 : i32
      %mul3A_84 = arith.constant 2 : i32
      %mul3A_85 = arith.muli %mul3A_84, %scan3A_80 : i32
      %add3A_86 = arith.constant 1 : i32
      %add3A_87 = arith.addi %mul3A_85, %add3A_86 : i32
      %jit3A_88 = arith.constant 10 : i32
      %div3A_89 = arith.divsi %mul3A_83, %jit3A_88 : i32
      %sign3A_90 = arith.constant 0 : i32
      %sign3A_91 = arith.cmpi sgt, %mul3A_83, %sign3A_90 : i32
      %sign3A_92 = arith.extui %sign3A_91 : i1 to i32
      %sign3A_93 = arith.constant 0 : i32
      %sign3A_94 = arith.cmpi slt, %mul3A_83, %sign3A_93 : i32
      %sign3A_95 = arith.extui %sign3A_94 : i1 to i32
      %sign3A_96 = arith.subi %sign3A_92, %sign3A_95 : i32
      %sign3A_97 = arith.constant 0 : i32
      %sign3A_98 = arith.cmpi sgt, %jit3A_88, %sign3A_97 : i32
      %sign3A_99 = arith.extui %sign3A_98 : i1 to i32
      %sign3A_100 = arith.constant 0 : i32
      %sign3A_101 = arith.cmpi slt, %jit3A_88, %sign3A_100 : i32
      %sign3A_102 = arith.extui %sign3A_101 : i1 to i32
      %sign3A_103 = arith.subi %sign3A_99, %sign3A_102 : i32
      %ne3A_104 = arith.cmpi ne, %sign3A_96, %sign3A_103 : i32
      %rem3A_105 = arith.remsi %mul3A_83, %jit3A_88 : i32
      %ne3A_106 = arith.constant 0 : i32
      %ne3A_107 = arith.cmpi ne, %rem3A_105, %ne3A_106 : i32
      %and3A_108 = arith.andi %ne3A_104, %ne3A_107 : i1
      %sub3A_109 = arith.constant 1 : i32
      %sub3A_110 = arith.subi %div3A_89, %sub3A_109 : i32
      %select_n3A_111 = arith.select %and3A_108, %sub3A_110, %div3A_89 : i32
      %jit3A_112 = arith.constant 10 : i32
      %eq3A_113 = arith.constant 0 : i32
      %eq3A_114 = arith.cmpi eq, %jit3A_112, %eq3A_113 : i32
      %jit3A_115 = arith.constant 1 : i32
      %select_n3A_116 = arith.select %eq3A_114, %jit3A_115, %jit3A_112 : i32
      %rem3A_117 = arith.remsi %mul3A_83, %select_n3A_116 : i32
      %ne3A_118 = arith.constant 0 : i32
      %ne3A_119 = arith.cmpi ne, %rem3A_117, %ne3A_118 : i32
      %lt3A_120 = arith.constant 0 : i32
      %lt3A_121 = arith.cmpi slt, %rem3A_117, %lt3A_120 : i32
      %lt3A_122 = arith.constant 0 : i32
      %lt3A_123 = arith.cmpi slt, %select_n3A_116, %lt3A_122 : i32
      %ne3A_124 = arith.xori %lt3A_121, %lt3A_123 : i1
      %and3A_125 = arith.andi %ne3A_124, %ne3A_119 : i1
      %add3A_126 = arith.addi %rem3A_117, %select_n3A_116 : i32
      %select_n3A_127 = arith.select %and3A_125, %add3A_126, %rem3A_117 : i32
      %mul3A_128 = arith.constant 6400 : i32
      %mul3A_129 = arith.muli %select_n3A_111, %mul3A_128 : i32
      %mul3A_130 = arith.constant 5 : i32
      %mul3A_131 = arith.muli %mul3A_130, %select_n3A_127 : i32
      %add3A_132 = arith.addi %mul3A_129, %mul3A_131 : i32
      %mul3A_133 = arith.constant 50 : i32
      %mul3A_134 = vector.broadcast %mul3A_133 : i32 to vector<16xi32>
      %mul3A_135 = arith.muli %iota3A, %mul3A_134 : vector<16xi32>
      %scan3A_136 = arith.constant 0 : i32
      %scan3A_137 = arith.constant 0 : i32
      %scan3A_138 = arith.constant 8 : i32
      %scan3A_139 = arith.addi %scan3A_137, %scan3A_138 : i32
      %scan3A_140 = arith.constant 1 : i32
      %scan3A_141 = scf.for %scan3A_524 = %scan3A_137 to %scan3A_139 step %scan3A_140 iter_args(%scan3A_525 = %scan3A_136) -> (i32)  : i32 {
        %mul3A_526 = arith.constant 800 : i32
        %mul3A_527 = arith.muli %scan3A_524, %mul3A_526 : i32
        %add3A_528 = arith.addi %add3A_132, %mul3A_527 : i32
        %add3A_529 = arith.constant 0 : i32
        %add3A_530 = arith.addi %add3A_528, %add3A_529 : i32
        %add3A_531 = vector.broadcast %add3A_530 : i32 to vector<16xi32>
        %add3A_532 = arith.addi %mul3A_135, %add3A_531 : vector<16xi32>
        %gather3A = tpu.vector_load_idx %arg5[%add3A_532] : memref<25600xi32, #tpu.memory_space<vmem>>[vector<16xi32>], vector<16xi32>,
        %mul3A_533 = arith.constant 16 : i32
        %mul3A_534 = arith.muli %scan3A_524, %mul3A_533 : i32
        %add3A_535 = arith.constant 0 : i32
        %add3A_536 = arith.addi %add3A_535, %mul3A_534 : i32
        %swap3A = arith.index_cast %add3A_536 : i32 to index
        %swap3A_537 = tpu.vector_load %arg6[%swap3A] {strides = array<i32>} : memref<640xi32, #tpu.memory_space<vmem>>, vector<16xi32>,
        tpu.vector_store %arg6[%swap3A], %gather3A {strides = array<i32>} : memref<640xi32, #tpu.memory_space<vmem>>, vector<16xi32>,
        %mul3A_538 = arith.constant 800 : i32
        %mul3A_539 = arith.muli %scan3A_524, %mul3A_538 : i32
        %add3A_540 = arith.addi %add3A_132, %mul3A_539 : i32
        %add3A_541 = arith.constant 1 : i32
        %add3A_542 = arith.addi %add3A_540, %add3A_541 : i32
        %add3A_543 = vector.broadcast %add3A_542 : i32 to vector<16xi32>
        %add3A_544 = arith.addi %mul3A_135, %add3A_543 : vector<16xi32>
        %gather3A_545 = tpu.vector_load_idx %arg5[%add3A_544] : memref<25600xi32, #tpu.memory_space<vmem>>[vector<16xi32>], vector<16xi32>,
        %mul3A_546 = arith.constant 16 : i32
        %mul3A_547 = arith.muli %scan3A_524, %mul3A_546 : i32
        %add3A_548 = arith.constant 128 : i32
        %add3A_549 = arith.addi %add3A_548, %mul3A_547 : i32
        %swap3A_550 = arith.index_cast %add3A_549 : i32 to index
        %swap3A_551 = tpu.vector_load %arg6[%swap3A_550] {strides = array<i32>} : memref<640xi32, #tpu.memory_space<vmem>>, vector<16xi32>,
        tpu.vector_store %arg6[%swap3A_550], %gather3A_545 {strides = array<i32>} : memref<640xi32, #tpu.memory_space<vmem>>, vector<16xi32>,
        %mul3A_552 = arith.constant 800 : i32
        %mul3A_553 = arith.muli %scan3A_524, %mul3A_552 : i32
        %add3A_554 = arith.addi %add3A_132, %mul3A_553 : i32
        %add3A_555 = arith.constant 2 : i32
        %add3A_556 = arith.addi %add3A_554, %add3A_555 : i32
        %add3A_557 = vector.broadcast %add3A_556 : i32 to vector<16xi32>
        %add3A_558 = arith.addi %mul3A_135, %add3A_557 : vector<16xi32>
        %gather3A_559 = tpu.vector_load_idx %arg5[%add3A_558] : memref<25600xi32, #tpu.memory_space<vmem>>[vector<16xi32>], vector<16xi32>,
        %mul3A_560 = arith.constant 16 : i32
        %mul3A_561 = arith.muli %scan3A_524, %mul3A_560 : i32
        %add3A_562 = arith.constant 256 : i32
        %add3A_563 = arith.addi %add3A_562, %mul3A_561 : i32
        %swap3A_564 = arith.index_cast %add3A_563 : i32 to index
        %swap3A_565 = tpu.vector_load %arg6[%swap3A_564] {strides = array<i32>} : memref<640xi32, #tpu.memory_space<vmem>>, vector<16xi32>,
        tpu.vector_store %arg6[%swap3A_564], %gather3A_559 {strides = array<i32>} : memref<640xi32, #tpu.memory_space<vmem>>, vector<16xi32>,
        %mul3A_566 = arith.constant 800 : i32
        %mul3A_567 = arith.muli %scan3A_524, %mul3A_566 : i32
        %add3A_568 = arith.addi %add3A_132, %mul3A_567 : i32
        %add3A_569 = arith.constant 3 : i32
        %add3A_570 = arith.addi %add3A_568, %add3A_569 : i32
        %add3A_571 = vector.broadcast %add3A_570 : i32 to vector<16xi32>
        %add3A_572 = arith.addi %mul3A_135, %add3A_571 : vector<16xi32>
        %gather3A_573 = tpu.vector_load_idx %arg5[%add3A_572] : memref<25600xi32, #tpu.memory_space<vmem>>[vector<16xi32>], vector<16xi32>,
        %mul3A_574 = arith.constant 16 : i32
        %mul3A_575 = arith.muli %scan3A_524, %mul3A_574 : i32
        %add3A_576 = arith.constant 384 : i32
        %add3A_577 = arith.addi %add3A_576, %mul3A_575 : i32
        %swap3A_578 = arith.index_cast %add3A_577 : i32 to index
        %swap3A_579 = tpu.vector_load %arg6[%swap3A_578] {strides = array<i32>} : memref<640xi32, #tpu.memory_space<vmem>>, vector<16xi32>,
        tpu.vector_store %arg6[%swap3A_578], %gather3A_573 {strides = array<i32>} : memref<640xi32, #tpu.memory_space<vmem>>, vector<16xi32>,
        %mul3A_580 = arith.constant 800 : i32
        %mul3A_581 = arith.muli %scan3A_524, %mul3A_580 : i32
        %add3A_582 = arith.addi %add3A_132, %mul3A_581 : i32
        %add3A_583 = arith.constant 4 : i32
        %add3A_584 = arith.addi %add3A_582, %add3A_583 : i32
        %add3A_585 = vector.broadcast %add3A_584 : i32 to vector<16xi32>
        %add3A_586 = arith.addi %mul3A_135, %add3A_585 : vector<16xi32>
        %gather3A_587 = tpu.vector_load_idx %arg5[%add3A_586] : memref<25600xi32, #tpu.memory_space<vmem>>[vector<16xi32>], vector<16xi32>,
        %mul3A_588 = arith.constant 16 : i32
        %mul3A_589 = arith.muli %scan3A_524, %mul3A_588 : i32
        %add3A_590 = arith.constant 512 : i32
        %add3A_591 = arith.addi %add3A_590, %mul3A_589 : i32
        %swap3A_592 = arith.index_cast %add3A_591 : i32 to index
        %swap3A_593 = tpu.vector_load %arg6[%swap3A_592] {strides = array<i32>} : memref<640xi32, #tpu.memory_space<vmem>>, vector<16xi32>,
        tpu.vector_store %arg6[%swap3A_592], %gather3A_587 {strides = array<i32>} : memref<640xi32, #tpu.memory_space<vmem>>, vector<16xi32>,
        %scan3A_594 = arith.constant 0 : i32
        scf.yield %scan3A_594 : i32
      }
      %scan3A_142 = arith.constant 8 : i32
      %dma_start3A = arith.constant 0 : i32
      %dma_start3A_143 = arith.constant 0 : i32
      %dma_start3A_144 = tpu.memref_slice %arg8[%dma_start3A, %dma_start3A_143] : memref<640x32xf32, #tpu.memory_space<vmem>> -> memref<128x32xf32, #tpu.memory_space<vmem>>
      %dma_start3A_145 = arith.constant 0 : i32
      %dma_start3A_146 = tpu.memref_slice %arg6[%dma_start3A_145] : memref<640xi32, #tpu.memory_space<vmem>> -> memref<128xi32, #tpu.memory_space<vmem>>
      %dma_start3A_147 = arith.constant 0 : i32
      %dma_start3A_148 = arith.constant 0 : i32
      %dma_start3A_149 = tpu.memref_slice %arg2[%dma_start3A_147, %dma_start3A_148] : memref<1950x32xf32, #tpu.memory_space<hbm>> -> memref<1950x32xf32, #tpu.memory_space<hbm>>
      tpu.enqueue_indirect_dma source(%dma_start3A_149 : memref<1950x32xf32, #tpu.memory_space<hbm>>) target(%dma_start3A_144 : memref<128x32xf32, #tpu.memory_space<vmem>>) offsets(%dma_start3A_146 : memref<128xi32, #tpu.memory_space<vmem>>) semaphore(%arg11 : memref<!tpu.dma_semaphore, #tpu.memory_space<semaphore_mem>>)
      %dma_start3A_150 = arith.constant 128 : i32
      %dma_start3A_151 = arith.constant 0 : i32
      %dma_start3A_152 = tpu.memref_slice %arg8[%dma_start3A_150, %dma_start3A_151] : memref<640x32xf32, #tpu.memory_space<vmem>> -> memref<128x32xf32, #tpu.memory_space<vmem>>
      %dma_start3A_153 = arith.constant 128 : i32
      %dma_start3A_154 = tpu.memref_slice %arg6[%dma_start3A_153] : memref<640xi32, #tpu.memory_space<vmem>> -> memref<128xi32, #tpu.memory_space<vmem>>
      %dma_start3A_155 = arith.constant 0 : i32
      %dma_start3A_156 = arith.constant 0 : i32
      %dma_start3A_157 = tpu.memref_slice %arg2[%dma_start3A_155, %dma_start3A_156] : memref<1950x32xf32, #tpu.memory_space<hbm>> -> memref<1950x32xf32, #tpu.memory_space<hbm>>
      tpu.enqueue_indirect_dma source(%dma_start3A_157 : memref<1950x32xf32, #tpu.memory_space<hbm>>) target(%dma_start3A_152 : memref<128x32xf32, #tpu.memory_space<vmem>>) offsets(%dma_start3A_154 : memref<128xi32, #tpu.memory_space<vmem>>) semaphore(%arg11 : memref<!tpu.dma_semaphore, #tpu.memory_space<semaphore_mem>>)
      %dma_start3A_158 = arith.constant 256 : i32
      %dma_start3A_159 = arith.constant 0 : i32
      %dma_start3A_160 = tpu.memref_slice %arg8[%dma_start3A_158, %dma_start3A_159] : memref<640x32xf32, #tpu.memory_space<vmem>> -> memref<128x32xf32, #tpu.memory_space<vmem>>
      %dma_start3A_161 = arith.constant 256 : i32
      %dma_start3A_162 = tpu.memref_slice %arg6[%dma_start3A_161] : memref<640xi32, #tpu.memory_space<vmem>> -> memref<128xi32, #tpu.memory_space<vmem>>
      %dma_start3A_163 = arith.constant 0 : i32
      %dma_start3A_164 = arith.constant 0 : i32
      %dma_start3A_165 = tpu.memref_slice %arg2[%dma_start3A_163, %dma_start3A_164] : memref<1950x32xf32, #tpu.memory_space<hbm>> -> memref<1950x32xf32, #tpu.memory_space<hbm>>
      tpu.enqueue_indirect_dma source(%dma_start3A_165 : memref<1950x32xf32, #tpu.memory_space<hbm>>) target(%dma_start3A_160 : memref<128x32xf32, #tpu.memory_space<vmem>>) offsets(%dma_start3A_162 : memref<128xi32, #tpu.memory_space<vmem>>) semaphore(%arg11 : memref<!tpu.dma_semaphore, #tpu.memory_space<semaphore_mem>>)
      %dma_start3A_166 = arith.constant 384 : i32
      %dma_start3A_167 = arith.constant 0 : i32
      %dma_start3A_168 = tpu.memref_slice %arg8[%dma_start3A_166, %dma_start3A_167] : memref<640x32xf32, #tpu.memory_space<vmem>> -> memref<128x32xf32, #tpu.memory_space<vmem>>
      %dma_start3A_169 = arith.constant 384 : i32
      %dma_start3A_170 = tpu.memref_slice %arg6[%dma_start3A_169] : memref<640xi32, #tpu.memory_space<vmem>> -> memref<128xi32, #tpu.memory_space<vmem>>
      %dma_start3A_171 = arith.constant 0 : i32
      %dma_start3A_172 = arith.constant 0 : i32
      %dma_start3A_173 = tpu.memref_slice %arg2[%dma_start3A_171, %dma_start3A_172] : memref<1950x32xf32, #tpu.memory_space<hbm>> -> memref<1950x32xf32, #tpu.memory_space<hbm>>
      tpu.enqueue_indirect_dma source(%dma_start3A_173 : memref<1950x32xf32, #tpu.memory_space<hbm>>) target(%dma_start3A_168 : memref<128x32xf32, #tpu.memory_space<vmem>>) offsets(%dma_start3A_170 : memref<128xi32, #tpu.memory_space<vmem>>) semaphore(%arg11 : memref<!tpu.dma_semaphore, #tpu.memory_space<semaphore_mem>>)
      %dma_start3A_174 = arith.constant 512 : i32
      %dma_start3A_175 = arith.constant 0 : i32
      %dma_start3A_176 = tpu.memref_slice %arg8[%dma_start3A_174, %dma_start3A_175] : memref<640x32xf32, #tpu.memory_space<vmem>> -> memref<128x32xf32, #tpu.memory_space<vmem>>
      %dma_start3A_177 = arith.constant 512 : i32
      %dma_start3A_178 = tpu.memref_slice %arg6[%dma_start3A_177] : memref<640xi32, #tpu.memory_space<vmem>> -> memref<128xi32, #tpu.memory_space<vmem>>
      %dma_start3A_179 = arith.constant 0 : i32
      %dma_start3A_180 = arith.constant 0 : i32
      %dma_start3A_181 = tpu.memref_slice %arg2[%dma_start3A_179, %dma_start3A_180] : memref<1950x32xf32, #tpu.memory_space<hbm>> -> memref<1950x32xf32, #tpu.memory_space<hbm>>
      tpu.enqueue_indirect_dma source(%dma_start3A_181 : memref<1950x32xf32, #tpu.memory_space<hbm>>) target(%dma_start3A_176 : memref<128x32xf32, #tpu.memory_space<vmem>>) offsets(%dma_start3A_178 : memref<128xi32, #tpu.memory_space<vmem>>) semaphore(%arg11 : memref<!tpu.dma_semaphore, #tpu.memory_space<semaphore_mem>>)
      %jit3A_182 = arith.constant 10 : i32
      %div3A_183 = arith.divsi %add3A_87, %jit3A_182 : i32
      %sign3A_184 = arith.constant 0 : i32
      %sign3A_185 = arith.cmpi sgt, %add3A_87, %sign3A_184 : i32
      %sign3A_186 = arith.extui %sign3A_185 : i1 to i32
      %sign3A_187 = arith.constant 0 : i32
      %sign3A_188 = arith.cmpi slt, %add3A_87, %sign3A_187 : i32
      %sign3A_189 = arith.extui %sign3A_188 : i1 to i32
      %sign3A_190 = arith.subi %sign3A_186, %sign3A_189 : i32
      %sign3A_191 = arith.constant 0 : i32
      %sign3A_192 = arith.cmpi sgt, %jit3A_182, %sign3A_191 : i32
      %sign3A_193 = arith.extui %sign3A_192 : i1 to i32
      %sign3A_194 = arith.constant 0 : i32
      %sign3A_195 = arith.cmpi slt, %jit3A_182, %sign3A_194 : i32
      %sign3A_196 = arith.extui %sign3A_195 : i1 to i32
      %sign3A_197 = arith.subi %sign3A_193, %sign3A_196 : i32
      %ne3A_198 = arith.cmpi ne, %sign3A_190, %sign3A_197 : i32
      %rem3A_199 = arith.remsi %add3A_87, %jit3A_182 : i32
      %ne3A_200 = arith.constant 0 : i32
      %ne3A_201 = arith.cmpi ne, %rem3A_199, %ne3A_200 : i32
      %and3A_202 = arith.andi %ne3A_198, %ne3A_201 : i1
      %sub3A_203 = arith.constant 1 : i32
      %sub3A_204 = arith.subi %div3A_183, %sub3A_203 : i32
      %select_n3A_205 = arith.select %and3A_202, %sub3A_204, %div3A_183 : i32
      %jit3A_206 = arith.constant 10 : i32
      %eq3A_207 = arith.constant 0 : i32
      %eq3A_208 = arith.cmpi eq, %jit3A_206, %eq3A_207 : i32
      %jit3A_209 = arith.constant 1 : i32
      %select_n3A_210 = arith.select %eq3A_208, %jit3A_209, %jit3A_206 : i32
      %rem3A_211 = arith.remsi %add3A_87, %select_n3A_210 : i32
      %ne3A_212 = arith.constant 0 : i32
      %ne3A_213 = arith.cmpi ne, %rem3A_211, %ne3A_212 : i32
      %lt3A_214 = arith.constant 0 : i32
      %lt3A_215 = arith.cmpi slt, %rem3A_211, %lt3A_214 : i32
      %lt3A_216 = arith.constant 0 : i32
      %lt3A_217 = arith.cmpi slt, %select_n3A_210, %lt3A_216 : i32
      %ne3A_218 = arith.xori %lt3A_215, %lt3A_217 : i1
      %and3A_219 = arith.andi %ne3A_218, %ne3A_213 : i1
      %add3A_220 = arith.addi %rem3A_211, %select_n3A_210 : i32
      %select_n3A_221 = arith.select %and3A_219, %add3A_220, %rem3A_211 : i32
      %mul3A_222 = arith.constant 6400 : i32
      %mul3A_223 = arith.muli %select_n3A_205, %mul3A_222 : i32
      %mul3A_224 = arith.constant 5 : i32
      %mul3A_225 = arith.muli %mul3A_224, %select_n3A_221 : i32
      %add3A_226 = arith.addi %mul3A_223, %mul3A_225 : i32
      %mul3A_227 = arith.constant 50 : i32
      %mul3A_228 = vector.broadcast %mul3A_227 : i32 to vector<16xi32>
      %mul3A_229 = arith.muli %iota3A, %mul3A_228 : vector<16xi32>
      %scan3A_230 = arith.constant 0 : i32
      %scan3A_231 = arith.constant 0 : i32
      %scan3A_232 = arith.constant 8 : i32
      %scan3A_233 = arith.addi %scan3A_231, %scan3A_232 : i32
      %scan3A_234 = arith.constant 1 : i32
      %scan3A_235 = scf.for %scan3A_524 = %scan3A_231 to %scan3A_233 step %scan3A_234 iter_args(%scan3A_525 = %scan3A_230) -> (i32)  : i32 {
        %mul3A_526 = arith.constant 800 : i32
        %mul3A_527 = arith.muli %scan3A_524, %mul3A_526 : i32
        %add3A_528 = arith.addi %add3A_226, %mul3A_527 : i32
        %add3A_529 = arith.constant 0 : i32
        %add3A_530 = arith.addi %add3A_528, %add3A_529 : i32
        %add3A_531 = vector.broadcast %add3A_530 : i32 to vector<16xi32>
        %add3A_532 = arith.addi %mul3A_229, %add3A_531 : vector<16xi32>
        %gather3A = tpu.vector_load_idx %arg5[%add3A_532] : memref<25600xi32, #tpu.memory_space<vmem>>[vector<16xi32>], vector<16xi32>,
        %mul3A_533 = arith.constant 16 : i32
        %mul3A_534 = arith.muli %scan3A_524, %mul3A_533 : i32
        %add3A_535 = arith.constant 0 : i32
        %add3A_536 = arith.addi %add3A_535, %mul3A_534 : i32
        %swap3A = arith.index_cast %add3A_536 : i32 to index
        %swap3A_537 = tpu.vector_load %arg7[%swap3A] {strides = array<i32>} : memref<640xi32, #tpu.memory_space<vmem>>, vector<16xi32>,
        tpu.vector_store %arg7[%swap3A], %gather3A {strides = array<i32>} : memref<640xi32, #tpu.memory_space<vmem>>, vector<16xi32>,
        %mul3A_538 = arith.constant 800 : i32
        %mul3A_539 = arith.muli %scan3A_524, %mul3A_538 : i32
        %add3A_540 = arith.addi %add3A_226, %mul3A_539 : i32
        %add3A_541 = arith.constant 1 : i32
        %add3A_542 = arith.addi %add3A_540, %add3A_541 : i32
        %add3A_543 = vector.broadcast %add3A_542 : i32 to vector<16xi32>
        %add3A_544 = arith.addi %mul3A_229, %add3A_543 : vector<16xi32>
        %gather3A_545 = tpu.vector_load_idx %arg5[%add3A_544] : memref<25600xi32, #tpu.memory_space<vmem>>[vector<16xi32>], vector<16xi32>,
        %mul3A_546 = arith.constant 16 : i32
        %mul3A_547 = arith.muli %scan3A_524, %mul3A_546 : i32
        %add3A_548 = arith.constant 128 : i32
        %add3A_549 = arith.addi %add3A_548, %mul3A_547 : i32
        %swap3A_550 = arith.index_cast %add3A_549 : i32 to index
        %swap3A_551 = tpu.vector_load %arg7[%swap3A_550] {strides = array<i32>} : memref<640xi32, #tpu.memory_space<vmem>>, vector<16xi32>,
        tpu.vector_store %arg7[%swap3A_550], %gather3A_545 {strides = array<i32>} : memref<640xi32, #tpu.memory_space<vmem>>, vector<16xi32>,
        %mul3A_552 = arith.constant 800 : i32
        %mul3A_553 = arith.muli %scan3A_524, %mul3A_552 : i32
        %add3A_554 = arith.addi %add3A_226, %mul3A_553 : i32
        %add3A_555 = arith.constant 2 : i32
        %add3A_556 = arith.addi %add3A_554, %add3A_555 : i32
        %add3A_557 = vector.broadcast %add3A_556 : i32 to vector<16xi32>
        %add3A_558 = arith.addi %mul3A_229, %add3A_557 : vector<16xi32>
        %gather3A_559 = tpu.vector_load_idx %arg5[%add3A_558] : memref<25600xi32, #tpu.memory_space<vmem>>[vector<16xi32>], vector<16xi32>,
        %mul3A_560 = arith.constant 16 : i32
        %mul3A_561 = arith.muli %scan3A_524, %mul3A_560 : i32
        %add3A_562 = arith.constant 256 : i32
        %add3A_563 = arith.addi %add3A_562, %mul3A_561 : i32
        %swap3A_564 = arith.index_cast %add3A_563 : i32 to index
        %swap3A_565 = tpu.vector_load %arg7[%swap3A_564] {strides = array<i32>} : memref<640xi32, #tpu.memory_space<vmem>>, vector<16xi32>,
        tpu.vector_store %arg7[%swap3A_564], %gather3A_559 {strides = array<i32>} : memref<640xi32, #tpu.memory_space<vmem>>, vector<16xi32>,
        %mul3A_566 = arith.constant 800 : i32
        %mul3A_567 = arith.muli %scan3A_524, %mul3A_566 : i32
        %add3A_568 = arith.addi %add3A_226, %mul3A_567 : i32
        %add3A_569 = arith.constant 3 : i32
        %add3A_570 = arith.addi %add3A_568, %add3A_569 : i32
        %add3A_571 = vector.broadcast %add3A_570 : i32 to vector<16xi32>
        %add3A_572 = arith.addi %mul3A_229, %add3A_571 : vector<16xi32>
        %gather3A_573 = tpu.vector_load_idx %arg5[%add3A_572] : memref<25600xi32, #tpu.memory_space<vmem>>[vector<16xi32>], vector<16xi32>,
        %mul3A_574 = arith.constant 16 : i32
        %mul3A_575 = arith.muli %scan3A_524, %mul3A_574 : i32
        %add3A_576 = arith.constant 384 : i32
        %add3A_577 = arith.addi %add3A_576, %mul3A_575 : i32
        %swap3A_578 = arith.index_cast %add3A_577 : i32 to index
        %swap3A_579 = tpu.vector_load %arg7[%swap3A_578] {strides = array<i32>} : memref<640xi32, #tpu.memory_space<vmem>>, vector<16xi32>,
        tpu.vector_store %arg7[%swap3A_578], %gather3A_573 {strides = array<i32>} : memref<640xi32, #tpu.memory_space<vmem>>, vector<16xi32>,
        %mul3A_580 = arith.constant 800 : i32
        %mul3A_581 = arith.muli %scan3A_524, %mul3A_580 : i32
        %add3A_582 = arith.addi %add3A_226, %mul3A_581 : i32
        %add3A_583 = arith.constant 4 : i32
        %add3A_584 = arith.addi %add3A_582, %add3A_583 : i32
        %add3A_585 = vector.broadcast %add3A_584 : i32 to vector<16xi32>
        %add3A_586 = arith.addi %mul3A_229, %add3A_585 : vector<16xi32>
        %gather3A_587 = tpu.vector_load_idx %arg5[%add3A_586] : memref<25600xi32, #tpu.memory_space<vmem>>[vector<16xi32>], vector<16xi32>,
        %mul3A_588 = arith.constant 16 : i32
        %mul3A_589 = arith.muli %scan3A_524, %mul3A_588 : i32
        %add3A_590 = arith.constant 512 : i32
        %add3A_591 = arith.addi %add3A_590, %mul3A_589 : i32
        %swap3A_592 = arith.index_cast %add3A_591 : i32 to index
        %swap3A_593 = tpu.vector_load %arg7[%swap3A_592] {strides = array<i32>} : memref<640xi32, #tpu.memory_space<vmem>>, vector<16xi32>,
        tpu.vector_store %arg7[%swap3A_592], %gather3A_587 {strides = array<i32>} : memref<640xi32, #tpu.memory_space<vmem>>, vector<16xi32>,
        %scan3A_594 = arith.constant 0 : i32
        scf.yield %scan3A_594 : i32
      }
      %scan3A_236 = arith.constant 8 : i32
      %dma_start3A_237 = arith.constant 0 : i32
      %dma_start3A_238 = arith.constant 0 : i32
      %dma_start3A_239 = tpu.memref_slice %arg9[%dma_start3A_237, %dma_start3A_238] : memref<640x32xf32, #tpu.memory_space<vmem>> -> memref<128x32xf32, #tpu.memory_space<vmem>>
      %dma_start3A_240 = arith.constant 0 : i32
      %dma_start3A_241 = tpu.memref_slice %arg7[%dma_start3A_240] : memref<640xi32, #tpu.memory_space<vmem>> -> memref<128xi32, #tpu.memory_space<vmem>>
      %dma_start3A_242 = arith.constant 0 : i32
      %dma_start3A_243 = arith.constant 0 : i32
      %dma_start3A_244 = tpu.memref_slice %arg2[%dma_start3A_242, %dma_start3A_243] : memref<1950x32xf32, #tpu.memory_space<hbm>> -> memref<1950x32xf32, #tpu.memory_space<hbm>>
      tpu.enqueue_indirect_dma source(%dma_start3A_244 : memref<1950x32xf32, #tpu.memory_space<hbm>>) target(%dma_start3A_239 : memref<128x32xf32, #tpu.memory_space<vmem>>) offsets(%dma_start3A_241 : memref<128xi32, #tpu.memory_space<vmem>>) semaphore(%arg12 : memref<!tpu.dma_semaphore, #tpu.memory_space<semaphore_mem>>)
      %dma_start3A_245 = arith.constant 128 : i32
      %dma_start3A_246 = arith.constant 0 : i32
      %dma_start3A_247 = tpu.memref_slice %arg9[%dma_start3A_245, %dma_start3A_246] : memref<640x32xf32, #tpu.memory_space<vmem>> -> memref<128x32xf32, #tpu.memory_space<vmem>>
      %dma_start3A_248 = arith.constant 128 : i32
      %dma_start3A_249 = tpu.memref_slice %arg7[%dma_start3A_248] : memref<640xi32, #tpu.memory_space<vmem>> -> memref<128xi32, #tpu.memory_space<vmem>>
      %dma_start3A_250 = arith.constant 0 : i32
      %dma_start3A_251 = arith.constant 0 : i32
      %dma_start3A_252 = tpu.memref_slice %arg2[%dma_start3A_250, %dma_start3A_251] : memref<1950x32xf32, #tpu.memory_space<hbm>> -> memref<1950x32xf32, #tpu.memory_space<hbm>>
      tpu.enqueue_indirect_dma source(%dma_start3A_252 : memref<1950x32xf32, #tpu.memory_space<hbm>>) target(%dma_start3A_247 : memref<128x32xf32, #tpu.memory_space<vmem>>) offsets(%dma_start3A_249 : memref<128xi32, #tpu.memory_space<vmem>>) semaphore(%arg12 : memref<!tpu.dma_semaphore, #tpu.memory_space<semaphore_mem>>)
      %dma_start3A_253 = arith.constant 256 : i32
      %dma_start3A_254 = arith.constant 0 : i32
      %dma_start3A_255 = tpu.memref_slice %arg9[%dma_start3A_253, %dma_start3A_254] : memref<640x32xf32, #tpu.memory_space<vmem>> -> memref<128x32xf32, #tpu.memory_space<vmem>>
      %dma_start3A_256 = arith.constant 256 : i32
      %dma_start3A_257 = tpu.memref_slice %arg7[%dma_start3A_256] : memref<640xi32, #tpu.memory_space<vmem>> -> memref<128xi32, #tpu.memory_space<vmem>>
      %dma_start3A_258 = arith.constant 0 : i32
      %dma_start3A_259 = arith.constant 0 : i32
      %dma_start3A_260 = tpu.memref_slice %arg2[%dma_start3A_258, %dma_start3A_259] : memref<1950x32xf32, #tpu.memory_space<hbm>> -> memref<1950x32xf32, #tpu.memory_space<hbm>>
      tpu.enqueue_indirect_dma source(%dma_start3A_260 : memref<1950x32xf32, #tpu.memory_space<hbm>>) target(%dma_start3A_255 : memref<128x32xf32, #tpu.memory_space<vmem>>) offsets(%dma_start3A_257 : memref<128xi32, #tpu.memory_space<vmem>>) semaphore(%arg12 : memref<!tpu.dma_semaphore, #tpu.memory_space<semaphore_mem>>)
      %dma_start3A_261 = arith.constant 384 : i32
      %dma_start3A_262 = arith.constant 0 : i32
      %dma_start3A_263 = tpu.memref_slice %arg9[%dma_start3A_261, %dma_start3A_262] : memref<640x32xf32, #tpu.memory_space<vmem>> -> memref<128x32xf32, #tpu.memory_space<vmem>>
      %dma_start3A_264 = arith.constant 384 : i32
      %dma_start3A_265 = tpu.memref_slice %arg7[%dma_start3A_264] : memref<640xi32, #tpu.memory_space<vmem>> -> memref<128xi32, #tpu.memory_space<vmem>>
      %dma_start3A_266 = arith.constant 0 : i32
      %dma_start3A_267 = arith.constant 0 : i32
      %dma_start3A_268 = tpu.memref_slice %arg2[%dma_start3A_266, %dma_start3A_267] : memref<1950x32xf32, #tpu.memory_space<hbm>> -> memref<1950x32xf32, #tpu.memory_space<hbm>>
      tpu.enqueue_indirect_dma source(%dma_start3A_268 : memref<1950x32xf32, #tpu.memory_space<hbm>>) target(%dma_start3A_263 : memref<128x32xf32, #tpu.memory_space<vmem>>) offsets(%dma_start3A_265 : memref<128xi32, #tpu.memory_space<vmem>>) semaphore(%arg12 : memref<!tpu.dma_semaphore, #tpu.memory_space<semaphore_mem>>)
      %dma_start3A_269 = arith.constant 512 : i32
      %dma_start3A_270 = arith.constant 0 : i32
      %dma_start3A_271 = tpu.memref_slice %arg9[%dma_start3A_269, %dma_start3A_270] : memref<640x32xf32, #tpu.memory_space<vmem>> -> memref<128x32xf32, #tpu.memory_space<vmem>>
      %dma_start3A_272 = arith.constant 512 : i32
      %dma_start3A_273 = tpu.memref_slice %arg7[%dma_start3A_272] : memref<640xi32, #tpu.memory_space<vmem>> -> memref<128xi32, #tpu.memory_space<vmem>>
      %dma_start3A_274 = arith.constant 0 : i32
      %dma_start3A_275 = arith.constant 0 : i32
      %dma_start3A_276 = tpu.memref_slice %arg2[%dma_start3A_274, %dma_start3A_275] : memref<1950x32xf32, #tpu.memory_space<hbm>> -> memref<1950x32xf32, #tpu.memory_space<hbm>>
      tpu.enqueue_indirect_dma source(%dma_start3A_276 : memref<1950x32xf32, #tpu.memory_space<hbm>>) target(%dma_start3A_271 : memref<128x32xf32, #tpu.memory_space<vmem>>) offsets(%dma_start3A_273 : memref<128xi32, #tpu.memory_space<vmem>>) semaphore(%arg12 : memref<!tpu.dma_semaphore, #tpu.memory_space<semaphore_mem>>)
      %dma_wait3A_277 = arith.constant 0 : i32
      %dma_wait3A_278 = arith.constant 0 : i32
      %dma_wait3A_279 = tpu.memref_slice %arg8[%dma_wait3A_277, %dma_wait3A_278] : memref<640x32xf32, #tpu.memory_space<vmem>> -> memref<128x32xf32, #tpu.memory_space<vmem>>
      %dma_wait3A_280 = arith.constant 0 : i32
      %dma_wait3A_281 = tpu.memref_slice %arg6[%dma_wait3A_280] : memref<640xi32, #tpu.memory_space<vmem>> -> memref<128xi32, #tpu.memory_space<vmem>>
      %dma_wait3A_282 = arith.constant 0 : i32
      %dma_wait3A_283 = arith.constant 0 : i32
      %dma_wait3A_284 = tpu.memref_slice %arg2[%dma_wait3A_282, %dma_wait3A_283] : memref<1950x32xf32, #tpu.memory_space<hbm>> -> memref<1950x32xf32, #tpu.memory_space<hbm>>
      tpu.wait_indirect_dma semaphore(%arg11 : memref<!tpu.dma_semaphore, #tpu.memory_space<semaphore_mem>>) src(%dma_wait3A_284 : memref<1950x32xf32, #tpu.memory_space<hbm>>) dst(%dma_wait3A_279 : memref<128x32xf32, #tpu.memory_space<vmem>>)
      %dma_wait3A_285 = arith.constant 128 : i32
      %dma_wait3A_286 = arith.constant 0 : i32
      %dma_wait3A_287 = tpu.memref_slice %arg8[%dma_wait3A_285, %dma_wait3A_286] : memref<640x32xf32, #tpu.memory_space<vmem>> -> memref<128x32xf32, #tpu.memory_space<vmem>>
      %dma_wait3A_288 = arith.constant 128 : i32
      %dma_wait3A_289 = tpu.memref_slice %arg6[%dma_wait3A_288] : memref<640xi32, #tpu.memory_space<vmem>> -> memref<128xi32, #tpu.memory_space<vmem>>
      %dma_wait3A_290 = arith.constant 0 : i32
      %dma_wait3A_291 = arith.constant 0 : i32
      %dma_wait3A_292 = tpu.memref_slice %arg2[%dma_wait3A_290, %dma_wait3A_291] : memref<1950x32xf32, #tpu.memory_space<hbm>> -> memref<1950x32xf32, #tpu.memory_space<hbm>>
      tpu.wait_indirect_dma semaphore(%arg11 : memref<!tpu.dma_semaphore, #tpu.memory_space<semaphore_mem>>) src(%dma_wait3A_292 : memref<1950x32xf32, #tpu.memory_space<hbm>>) dst(%dma_wait3A_287 : memref<128x32xf32, #tpu.memory_space<vmem>>)
      %dma_wait3A_293 = arith.constant 256 : i32
      %dma_wait3A_294 = arith.constant 0 : i32
      %dma_wait3A_295 = tpu.memref_slice %arg8[%dma_wait3A_293, %dma_wait3A_294] : memref<640x32xf32, #tpu.memory_space<vmem>> -> memref<128x32xf32, #tpu.memory_space<vmem>>
      %dma_wait3A_296 = arith.constant 256 : i32
      %dma_wait3A_297 = tpu.memref_slice %arg6[%dma_wait3A_296] : memref<640xi32, #tpu.memory_space<vmem>> -> memref<128xi32, #tpu.memory_space<vmem>>
      %dma_wait3A_298 = arith.constant 0 : i32
      %dma_wait3A_299 = arith.constant 0 : i32
      %dma_wait3A_300 = tpu.memref_slice %arg2[%dma_wait3A_298, %dma_wait3A_299] : memref<1950x32xf32, #tpu.memory_space<hbm>> -> memref<1950x32xf32, #tpu.memory_space<hbm>>
      tpu.wait_indirect_dma semaphore(%arg11 : memref<!tpu.dma_semaphore, #tpu.memory_space<semaphore_mem>>) src(%dma_wait3A_300 : memref<1950x32xf32, #tpu.memory_space<hbm>>) dst(%dma_wait3A_295 : memref<128x32xf32, #tpu.memory_space<vmem>>)
      %dma_wait3A_301 = arith.constant 384 : i32
      %dma_wait3A_302 = arith.constant 0 : i32
      %dma_wait3A_303 = tpu.memref_slice %arg8[%dma_wait3A_301, %dma_wait3A_302] : memref<640x32xf32, #tpu.memory_space<vmem>> -> memref<128x32xf32, #tpu.memory_space<vmem>>
      %dma_wait3A_304 = arith.constant 384 : i32
      %dma_wait3A_305 = tpu.memref_slice %arg6[%dma_wait3A_304] : memref<640xi32, #tpu.memory_space<vmem>> -> memref<128xi32, #tpu.memory_space<vmem>>
      %dma_wait3A_306 = arith.constant 0 : i32
      %dma_wait3A_307 = arith.constant 0 : i32
      %dma_wait3A_308 = tpu.memref_slice %arg2[%dma_wait3A_306, %dma_wait3A_307] : memref<1950x32xf32, #tpu.memory_space<hbm>> -> memref<1950x32xf32, #tpu.memory_space<hbm>>
      tpu.wait_indirect_dma semaphore(%arg11 : memref<!tpu.dma_semaphore, #tpu.memory_space<semaphore_mem>>) src(%dma_wait3A_308 : memref<1950x32xf32, #tpu.memory_space<hbm>>) dst(%dma_wait3A_303 : memref<128x32xf32, #tpu.memory_space<vmem>>)
      %dma_wait3A_309 = arith.constant 512 : i32
      %dma_wait3A_310 = arith.constant 0 : i32
      %dma_wait3A_311 = tpu.memref_slice %arg8[%dma_wait3A_309, %dma_wait3A_310] : memref<640x32xf32, #tpu.memory_space<vmem>> -> memref<128x32xf32, #tpu.memory_space<vmem>>
      %dma_wait3A_312 = arith.constant 512 : i32
      %dma_wait3A_313 = tpu.memref_slice %arg6[%dma_wait3A_312] : memref<640xi32, #tpu.memory_space<vmem>> -> memref<128xi32, #tpu.memory_space<vmem>>
      %dma_wait3A_314 = arith.constant 0 : i32
      %dma_wait3A_315 = arith.constant 0 : i32
      %dma_wait3A_316 = tpu.memref_slice %arg2[%dma_wait3A_314, %dma_wait3A_315] : memref<1950x32xf32, #tpu.memory_space<hbm>> -> memref<1950x32xf32, #tpu.memory_space<hbm>>
      tpu.wait_indirect_dma semaphore(%arg11 : memref<!tpu.dma_semaphore, #tpu.memory_space<semaphore_mem>>) src(%dma_wait3A_316 : memref<1950x32xf32, #tpu.memory_space<hbm>>) dst(%dma_wait3A_311 : memref<128x32xf32, #tpu.memory_space<vmem>>)
      %gt3A = arith.constant 0 : i32
      %gt3A_317 = arith.cmpi sgt, %scan3A_80, %gt3A : i32
      %convert_element_type3A = arith.extui %gt3A_317 : i1 to i32
      %cond3A = arith.constant 0 : i32
      %cond3A_318 = arith.cmpi ne, %convert_element_type3A, %cond3A : i32
      scf.if %cond3A_318 {
        %dma_wait3A_524 = arith.constant 0 : i32
        %dma_wait3A_525 = arith.constant 0 : i32
        %dma_wait3A_526 = arith.constant 0 : i32
        %dma_wait3A_527 = arith.constant 0 : i32
        %dma_wait3A_528 = arith.constant 0 : i32
        %dma_wait3A_529 = tpu.memref_slice %arg10[%dma_wait3A_525, %dma_wait3A_526, %dma_wait3A_527, %dma_wait3A_528] : memref<5x4x8x129xf32, #tpu.memory_space<vmem>> -> memref<5x4x8x128xf32, #tpu.memory_space<vmem>>
        %dma_wait3A_530 = arith.constant 0 : i32
        %dma_wait3A_531 = arith.constant 0 : i32
        %dma_wait3A_532 = arith.constant 0 : i32
        %dma_wait3A_533 = arith.constant 0 : i32
        %dma_wait3A_534 = tpu.memref_slice %arg4[%dma_wait3A_530, %dma_wait3A_531, %dma_wait3A_524, %dma_wait3A_532, %dma_wait3A_533] : memref<50x4x128x8x128xf32, #tpu.memory_space<hbm>> -> memref<5x4x1x8x128xf32, #tpu.memory_space<hbm>>
        %dma_wait3A_535 = tpu.memref_squeeze %dma_wait3A_534 : memref<5x4x1x8x128xf32, #tpu.memory_space<hbm>> -> memref<5x4x8x128xf32, #tpu.memory_space<hbm>>
        %dma_wait3A_536 = arith.constant 0 : i32
        %dma_wait3A_537 = arith.constant 0 : i32
        %dma_wait3A_538 = arith.constant 0 : i32
        %dma_wait3A_539 = arith.constant 0 : i32
        %dma_wait3A_540 = tpu.memref_slice %arg10[%dma_wait3A_536, %dma_wait3A_537, %dma_wait3A_538, %dma_wait3A_539] : memref<5x4x8x129xf32, #tpu.memory_space<vmem>> -> memref<5x4x8x128xf32, #tpu.memory_space<vmem>>
        %dma_wait3A_541 = arith.constant 0 : i32
        %dma_wait3A_542 = arith.constant 0 : i32
        %dma_wait3A_543 = arith.constant 0 : i32
        %dma_wait3A_544 = arith.constant 0 : i32
        %dma_wait3A_545 = tpu.memref_slice %arg4[%dma_wait3A_541, %dma_wait3A_542, %dma_wait3A_524, %dma_wait3A_543, %dma_wait3A_544] : memref<50x4x128x8x128xf32, #tpu.memory_space<hbm>> -> memref<5x4x1x8x128xf32, #tpu.memory_space<hbm>>
        %dma_wait3A_546 = tpu.memref_squeeze %dma_wait3A_545 : memref<5x4x1x8x128xf32, #tpu.memory_space<hbm>> -> memref<5x4x8x128xf32, #tpu.memory_space<hbm>>
        tpu.wait_dma2 semaphore(%arg14 : memref<!tpu.dma_semaphore, #tpu.memory_space<semaphore_mem>>) src(%dma_wait3A_546 : memref<5x4x8x128xf32, #tpu.memory_space<hbm>>) dst(%dma_wait3A_540 : memref<5x4x8x128xf32, #tpu.memory_space<vmem>>)
      } else {
      }
      %scan3A_319 = arith.constant 0 : i32
      %scan3A_320 = arith.constant 0 : i32
      %scan3A_321 = arith.constant 80 : i32
      %scan3A_322 = arith.addi %scan3A_320, %scan3A_321 : i32
      %scan3A_323 = arith.constant 1 : i32
      %scan3A_324 = scf.for %scan3A_524 = %scan3A_320 to %scan3A_322 step %scan3A_323 iter_args(%scan3A_525 = %scan3A_319) -> (i32)  : i32 {
        %jit3A_526 = arith.constant 16 : i32
        %div3A_527 = arith.divsi %scan3A_524, %jit3A_526 : i32
        %sign3A_528 = arith.constant 0 : i32
        %sign3A_529 = arith.cmpi sgt, %scan3A_524, %sign3A_528 : i32
        %sign3A_530 = arith.extui %sign3A_529 : i1 to i32
        %sign3A_531 = arith.constant 0 : i32
        %sign3A_532 = arith.cmpi slt, %scan3A_524, %sign3A_531 : i32
        %sign3A_533 = arith.extui %sign3A_532 : i1 to i32
        %sign3A_534 = arith.subi %sign3A_530, %sign3A_533 : i32
        %sign3A_535 = arith.constant 0 : i32
        %sign3A_536 = arith.cmpi sgt, %jit3A_526, %sign3A_535 : i32
        %sign3A_537 = arith.extui %sign3A_536 : i1 to i32
        %sign3A_538 = arith.constant 0 : i32
        %sign3A_539 = arith.cmpi slt, %jit3A_526, %sign3A_538 : i32
        %sign3A_540 = arith.extui %sign3A_539 : i1 to i32
        %sign3A_541 = arith.subi %sign3A_537, %sign3A_540 : i32
        %ne3A_542 = arith.cmpi ne, %sign3A_534, %sign3A_541 : i32
        %rem3A_543 = arith.remsi %scan3A_524, %jit3A_526 : i32
        %ne3A_544 = arith.constant 0 : i32
        %ne3A_545 = arith.cmpi ne, %rem3A_543, %ne3A_544 : i32
        %and3A_546 = arith.andi %ne3A_542, %ne3A_545 : i1
        %sub3A_547 = arith.constant 1 : i32
        %sub3A_548 = arith.subi %div3A_527, %sub3A_547 : i32
        %select_n3A_549 = arith.select %and3A_546, %sub3A_548, %div3A_527 : i32
        %jit3A_550 = arith.constant 16 : i32
        %eq3A_551 = arith.constant 0 : i32
        %eq3A_552 = arith.cmpi eq, %jit3A_550, %eq3A_551 : i32
        %jit3A_553 = arith.constant 1 : i32
        %select_n3A_554 = arith.select %eq3A_552, %jit3A_553, %jit3A_550 : i32
        %rem3A_555 = arith.remsi %scan3A_524, %select_n3A_554 : i32
        %ne3A_556 = arith.constant 0 : i32
        %ne3A_557 = arith.cmpi ne, %rem3A_555, %ne3A_556 : i32
        %lt3A_558 = arith.constant 0 : i32
        %lt3A_559 = arith.cmpi slt, %rem3A_555, %lt3A_558 : i32
        %lt3A_560 = arith.constant 0 : i32
        %lt3A_561 = arith.cmpi slt, %select_n3A_554, %lt3A_560 : i32
        %ne3A_562 = arith.xori %lt3A_559, %lt3A_561 : i1
        %and3A_563 = arith.andi %ne3A_562, %ne3A_557 : i1
        %add3A_564 = arith.addi %rem3A_555, %select_n3A_554 : i32
        %select_n3A_565 = arith.select %and3A_563, %add3A_564, %rem3A_555 : i32
        %mul3A_566 = arith.constant 8 : i32
        %mul3A_567 = arith.muli %select_n3A_565, %mul3A_566 : i32
        %add3A_568 = vector.broadcast %select_n3A_549 : i32 to vector<16xi32>
        %add3A_569 = arith.addi %mul3A_5, %add3A_568 : vector<16xi32>
        %add3A_570 = arith.constant 0 : i32
        %add3A_571 = arith.addi %mul3A_567, %add3A_570 : i32
        %mul3A_572 = arith.constant 128 : i32
        %mul3A_573 = arith.muli %select_n3A_549, %mul3A_572 : i32
        %add3A_574 = arith.addi %mul3A_573, %add3A_571 : i32
        %add3A_575 = vector.broadcast %add3A_571 : i32 to vector<16xi32>
        %add3A_576 = arith.addi %mul3A_5, %add3A_575 : vector<16xi32>
        %get3A = arith.index_cast %add3A_574 : i32 to index
        %get3A_577 = arith.constant 0 : index
        %get3A_578 = tpu.vector_load %arg8[%get3A, %get3A_577] {strides = array<i32>} : memref<640x32xf32, #tpu.memory_space<vmem>>, vector<16xf32>,
        %get3A_579 = arith.index_cast %add3A_574 : i32 to index
        %get3A_580 = arith.constant 16 : index
        %get3A_581 = tpu.vector_load %arg8[%get3A_579, %get3A_580] {strides = array<i32>} : memref<640x32xf32, #tpu.memory_space<vmem>>, vector<16xf32>,
        tpu.vector_store_idx %arg10[%add3A_569, %select_n3A, %select_n3A_51, %add3A_576], %get3A_578 : memref<5x4x8x129xf32, #tpu.memory_space<vmem>>[vector<16xi32>, vector<16xi32>, vector<16xi32>, vector<16xi32>], vector<16xf32>,
        tpu.vector_store_idx %arg10[%add3A_569, %add3A_31, %select_n3A_51, %add3A_576], %get3A_581 : memref<5x4x8x129xf32, #tpu.memory_space<vmem>>[vector<16xi32>, vector<16xi32>, vector<16xi32>, vector<16xi32>], vector<16xf32>,
        %add3A_582 = arith.constant 1 : i32
        %add3A_583 = arith.addi %mul3A_567, %add3A_582 : i32
        %mul3A_584 = arith.constant 128 : i32
        %mul3A_585 = arith.muli %select_n3A_549, %mul3A_584 : i32
        %add3A_586 = arith.addi %mul3A_585, %add3A_583 : i32
        %add3A_587 = vector.broadcast %add3A_583 : i32 to vector<16xi32>
        %add3A_588 = arith.addi %mul3A_5, %add3A_587 : vector<16xi32>
        %get3A_589 = arith.index_cast %add3A_586 : i32 to index
        %get3A_590 = arith.constant 0 : index
        %get3A_591 = tpu.vector_load %arg8[%get3A_589, %get3A_590] {strides = array<i32>} : memref<640x32xf32, #tpu.memory_space<vmem>>, vector<16xf32>,
        %get3A_592 = arith.index_cast %add3A_586 : i32 to index
        %get3A_593 = arith.constant 16 : index
        %get3A_594 = tpu.vector_load %arg8[%get3A_592, %get3A_593] {strides = array<i32>} : memref<640x32xf32, #tpu.memory_space<vmem>>, vector<16xf32>,
        tpu.vector_store_idx %arg10[%add3A_569, %select_n3A, %select_n3A_51, %add3A_588], %get3A_591 : memref<5x4x8x129xf32, #tpu.memory_space<vmem>>[vector<16xi32>, vector<16xi32>, vector<16xi32>, vector<16xi32>], vector<16xf32>,
        tpu.vector_store_idx %arg10[%add3A_569, %add3A_31, %select_n3A_51, %add3A_588], %get3A_594 : memref<5x4x8x129xf32, #tpu.memory_space<vmem>>[vector<16xi32>, vector<16xi32>, vector<16xi32>, vector<16xi32>], vector<16xf32>,
        %add3A_595 = arith.constant 2 : i32
        %add3A_596 = arith.addi %mul3A_567, %add3A_595 : i32
        %mul3A_597 = arith.constant 128 : i32
        %mul3A_598 = arith.muli %select_n3A_549, %mul3A_597 : i32
        %add3A_599 = arith.addi %mul3A_598, %add3A_596 : i32
        %add3A_600 = vector.broadcast %add3A_596 : i32 to vector<16xi32>
        %add3A_601 = arith.addi %mul3A_5, %add3A_600 : vector<16xi32>
        %get3A_602 = arith.index_cast %add3A_599 : i32 to index
        %get3A_603 = arith.constant 0 : index
        %get3A_604 = tpu.vector_load %arg8[%get3A_602, %get3A_603] {strides = array<i32>} : memref<640x32xf32, #tpu.memory_space<vmem>>, vector<16xf32>,
        %get3A_605 = arith.index_cast %add3A_599 : i32 to index
        %get3A_606 = arith.constant 16 : index
        %get3A_607 = tpu.vector_load %arg8[%get3A_605, %get3A_606] {strides = array<i32>} : memref<640x32xf32, #tpu.memory_space<vmem>>, vector<16xf32>,
        tpu.vector_store_idx %arg10[%add3A_569, %select_n3A, %select_n3A_51, %add3A_601], %get3A_604 : memref<5x4x8x129xf32, #tpu.memory_space<vmem>>[vector<16xi32>, vector<16xi32>, vector<16xi32>, vector<16xi32>], vector<16xf32>,
        tpu.vector_store_idx %arg10[%add3A_569, %add3A_31, %select_n3A_51, %add3A_601], %get3A_607 : memref<5x4x8x129xf32, #tpu.memory_space<vmem>>[vector<16xi32>, vector<16xi32>, vector<16xi32>, vector<16xi32>], vector<16xf32>,
        %add3A_608 = arith.constant 3 : i32
        %add3A_609 = arith.addi %mul3A_567, %add3A_608 : i32
        %mul3A_610 = arith.constant 128 : i32
        %mul3A_611 = arith.muli %select_n3A_549, %mul3A_610 : i32
        %add3A_612 = arith.addi %mul3A_611, %add3A_609 : i32
        %add3A_613 = vector.broadcast %add3A_609 : i32 to vector<16xi32>
        %add3A_614 = arith.addi %mul3A_5, %add3A_613 : vector<16xi32>
        %get3A_615 = arith.index_cast %add3A_612 : i32 to index
        %get3A_616 = arith.constant 0 : index
        %get3A_617 = tpu.vector_load %arg8[%get3A_615, %get3A_616] {strides = array<i32>} : memref<640x32xf32, #tpu.memory_space<vmem>>, vector<16xf32>,
        %get3A_618 = arith.index_cast %add3A_612 : i32 to index
        %get3A_619 = arith.constant 16 : index
        %get3A_620 = tpu.vector_load %arg8[%get3A_618, %get3A_619] {strides = array<i32>} : memref<640x32xf32, #tpu.memory_space<vmem>>, vector<16xf32>,
        tpu.vector_store_idx %arg10[%add3A_569, %select_n3A, %select_n3A_51, %add3A_614], %get3A_617 : memref<5x4x8x129xf32, #tpu.memory_space<vmem>>[vector<16xi32>, vector<16xi32>, vector<16xi32>, vector<16xi32>], vector<16xf32>,
        tpu.vector_store_idx %arg10[%add3A_569, %add3A_31, %select_n3A_51, %add3A_614], %get3A_620 : memref<5x4x8x129xf32, #tpu.memory_space<vmem>>[vector<16xi32>, vector<16xi32>, vector<16xi32>, vector<16xi32>], vector<16xf32>,
        %add3A_621 = arith.constant 4 : i32
        %add3A_622 = arith.addi %mul3A_567, %add3A_621 : i32
        %mul3A_623 = arith.constant 128 : i32
        %mul3A_624 = arith.muli %select_n3A_549, %mul3A_623 : i32
        %add3A_625 = arith.addi %mul3A_624, %add3A_622 : i32
        %add3A_626 = vector.broadcast %add3A_622 : i32 to vector<16xi32>
        %add3A_627 = arith.addi %mul3A_5, %add3A_626 : vector<16xi32>
        %get3A_628 = arith.index_cast %add3A_625 : i32 to index
        %get3A_629 = arith.constant 0 : index
        %get3A_630 = tpu.vector_load %arg8[%get3A_628, %get3A_629] {strides = array<i32>} : memref<640x32xf32, #tpu.memory_space<vmem>>, vector<16xf32>,
        %get3A_631 = arith.index_cast %add3A_625 : i32 to index
        %get3A_632 = arith.constant 16 : index
        %get3A_633 = tpu.vector_load %arg8[%get3A_631, %get3A_632] {strides = array<i32>} : memref<640x32xf32, #tpu.memory_space<vmem>>, vector<16xf32>,
        tpu.vector_store_idx %arg10[%add3A_569, %select_n3A, %select_n3A_51, %add3A_627], %get3A_630 : memref<5x4x8x129xf32, #tpu.memory_space<vmem>>[vector<16xi32>, vector<16xi32>, vector<16xi32>, vector<16xi32>], vector<16xf32>,
        tpu.vector_store_idx %arg10[%add3A_569, %add3A_31, %select_n3A_51, %add3A_627], %get3A_633 : memref<5x4x8x129xf32, #tpu.memory_space<vmem>>[vector<16xi32>, vector<16xi32>, vector<16xi32>, vector<16xi32>], vector<16xf32>,
        %add3A_634 = arith.constant 5 : i32
        %add3A_635 = arith.addi %mul3A_567, %add3A_634 : i32
        %mul3A_636 = arith.constant 128 : i32
        %mul3A_637 = arith.muli %select_n3A_549, %mul3A_636 : i32
        %add3A_638 = arith.addi %mul3A_637, %add3A_635 : i32
        %add3A_639 = vector.broadcast %add3A_635 : i32 to vector<16xi32>
        %add3A_640 = arith.addi %mul3A_5, %add3A_639 : vector<16xi32>
        %get3A_641 = arith.index_cast %add3A_638 : i32 to index
        %get3A_642 = arith.constant 0 : index
        %get3A_643 = tpu.vector_load %arg8[%get3A_641, %get3A_642] {strides = array<i32>} : memref<640x32xf32, #tpu.memory_space<vmem>>, vector<16xf32>,
        %get3A_644 = arith.index_cast %add3A_638 : i32 to index
        %get3A_645 = arith.constant 16 : index
        %get3A_646 = tpu.vector_load %arg8[%get3A_644, %get3A_645] {strides = array<i32>} : memref<640x32xf32, #tpu.memory_space<vmem>>, vector<16xf32>,
        tpu.vector_store_idx %arg10[%add3A_569, %select_n3A, %select_n3A_51, %add3A_640], %get3A_643 : memref<5x4x8x129xf32, #tpu.memory_space<vmem>>[vector<16xi32>, vector<16xi32>, vector<16xi32>, vector<16xi32>], vector<16xf32>,
        tpu.vector_store_idx %arg10[%add3A_569, %add3A_31, %select_n3A_51, %add3A_640], %get3A_646 : memref<5x4x8x129xf32, #tpu.memory_space<vmem>>[vector<16xi32>, vector<16xi32>, vector<16xi32>, vector<16xi32>], vector<16xf32>,
        %add3A_647 = arith.constant 6 : i32
        %add3A_648 = arith.addi %mul3A_567, %add3A_647 : i32
        %mul3A_649 = arith.constant 128 : i32
        %mul3A_650 = arith.muli %select_n3A_549, %mul3A_649 : i32
        %add3A_651 = arith.addi %mul3A_650, %add3A_648 : i32
        %add3A_652 = vector.broadcast %add3A_648 : i32 to vector<16xi32>
        %add3A_653 = arith.addi %mul3A_5, %add3A_652 : vector<16xi32>
        %get3A_654 = arith.index_cast %add3A_651 : i32 to index
        %get3A_655 = arith.constant 0 : index
        %get3A_656 = tpu.vector_load %arg8[%get3A_654, %get3A_655] {strides = array<i32>} : memref<640x32xf32, #tpu.memory_space<vmem>>, vector<16xf32>,
        %get3A_657 = arith.index_cast %add3A_651 : i32 to index
        %get3A_658 = arith.constant 16 : index
        %get3A_659 = tpu.vector_load %arg8[%get3A_657, %get3A_658] {strides = array<i32>} : memref<640x32xf32, #tpu.memory_space<vmem>>, vector<16xf32>,
        tpu.vector_store_idx %arg10[%add3A_569, %select_n3A, %select_n3A_51, %add3A_653], %get3A_656 : memref<5x4x8x129xf32, #tpu.memory_space<vmem>>[vector<16xi32>, vector<16xi32>, vector<16xi32>, vector<16xi32>], vector<16xf32>,
        tpu.vector_store_idx %arg10[%add3A_569, %add3A_31, %select_n3A_51, %add3A_653], %get3A_659 : memref<5x4x8x129xf32, #tpu.memory_space<vmem>>[vector<16xi32>, vector<16xi32>, vector<16xi32>, vector<16xi32>], vector<16xf32>,
        %add3A_660 = arith.constant 7 : i32
        %add3A_661 = arith.addi %mul3A_567, %add3A_660 : i32
        %mul3A_662 = arith.constant 128 : i32
        %mul3A_663 = arith.muli %select_n3A_549, %mul3A_662 : i32
        %add3A_664 = arith.addi %mul3A_663, %add3A_661 : i32
        %add3A_665 = vector.broadcast %add3A_661 : i32 to vector<16xi32>
        %add3A_666 = arith.addi %mul3A_5, %add3A_665 : vector<16xi32>
        %get3A_667 = arith.index_cast %add3A_664 : i32 to index
        %get3A_668 = arith.constant 0 : index
        %get3A_669 = tpu.vector_load %arg8[%get3A_667, %get3A_668] {strides = array<i32>} : memref<640x32xf32, #tpu.memory_space<vmem>>, vector<16xf32>,
        %get3A_670 = arith.index_cast %add3A_664 : i32 to index
        %get3A_671 = arith.constant 16 : index
        %get3A_672 = tpu.vector_load %arg8[%get3A_670, %get3A_671] {strides = array<i32>} : memref<640x32xf32, #tpu.memory_space<vmem>>, vector<16xf32>,
        tpu.vector_store_idx %arg10[%add3A_569, %select_n3A, %select_n3A_51, %add3A_666], %get3A_669 : memref<5x4x8x129xf32, #tpu.memory_space<vmem>>[vector<16xi32>, vector<16xi32>, vector<16xi32>, vector<16xi32>], vector<16xf32>,
        tpu.vector_store_idx %arg10[%add3A_569, %add3A_31, %select_n3A_51, %add3A_666], %get3A_672 : memref<5x4x8x129xf32, #tpu.memory_space<vmem>>[vector<16xi32>, vector<16xi32>, vector<16xi32>, vector<16xi32>], vector<16xf32>,
        %scan3A_673 = arith.constant 0 : i32
        scf.yield %scan3A_673 : i32
      }
      %scan3A_325 = arith.constant 80 : i32
      %jit3A_326 = arith.constant 10 : i32
      %div3A_327 = arith.divsi %mul3A_83, %jit3A_326 : i32
      %sign3A_328 = arith.constant 0 : i32
      %sign3A_329 = arith.cmpi sgt, %mul3A_83, %sign3A_328 : i32
      %sign3A_330 = arith.extui %sign3A_329 : i1 to i32
      %sign3A_331 = arith.constant 0 : i32
      %sign3A_332 = arith.cmpi slt, %mul3A_83, %sign3A_331 : i32
      %sign3A_333 = arith.extui %sign3A_332 : i1 to i32
      %sign3A_334 = arith.subi %sign3A_330, %sign3A_333 : i32
      %sign3A_335 = arith.constant 0 : i32
      %sign3A_336 = arith.cmpi sgt, %jit3A_326, %sign3A_335 : i32
      %sign3A_337 = arith.extui %sign3A_336 : i1 to i32
      %sign3A_338 = arith.constant 0 : i32
      %sign3A_339 = arith.cmpi slt, %jit3A_326, %sign3A_338 : i32
      %sign3A_340 = arith.extui %sign3A_339 : i1 to i32
      %sign3A_341 = arith.subi %sign3A_337, %sign3A_340 : i32
      %ne3A_342 = arith.cmpi ne, %sign3A_334, %sign3A_341 : i32
      %rem3A_343 = arith.remsi %mul3A_83, %jit3A_326 : i32
      %ne3A_344 = arith.constant 0 : i32
      %ne3A_345 = arith.cmpi ne, %rem3A_343, %ne3A_344 : i32
      %and3A_346 = arith.andi %ne3A_342, %ne3A_345 : i1
      %sub3A_347 = arith.constant 1 : i32
      %sub3A_348 = arith.subi %div3A_327, %sub3A_347 : i32
      %select_n3A_349 = arith.select %and3A_346, %sub3A_348, %div3A_327 : i32
      %jit3A_350 = arith.constant 10 : i32
      %eq3A_351 = arith.constant 0 : i32
      %eq3A_352 = arith.cmpi eq, %jit3A_350, %eq3A_351 : i32
      %jit3A_353 = arith.constant 1 : i32
      %select_n3A_354 = arith.select %eq3A_352, %jit3A_353, %jit3A_350 : i32
      %rem3A_355 = arith.remsi %mul3A_83, %select_n3A_354 : i32
      %ne3A_356 = arith.constant 0 : i32
      %ne3A_357 = arith.cmpi ne, %rem3A_355, %ne3A_356 : i32
      %lt3A_358 = arith.constant 0 : i32
      %lt3A_359 = arith.cmpi slt, %rem3A_355, %lt3A_358 : i32
      %lt3A_360 = arith.constant 0 : i32
      %lt3A_361 = arith.cmpi slt, %select_n3A_354, %lt3A_360 : i32
      %ne3A_362 = arith.xori %lt3A_359, %lt3A_361 : i1
      %and3A_363 = arith.andi %ne3A_362, %ne3A_357 : i1
      %add3A_364 = arith.addi %rem3A_355, %select_n3A_354 : i32
      %select_n3A_365 = arith.select %and3A_363, %add3A_364, %rem3A_355 : i32
      %mul3A_366 = arith.constant 5 : i32
      %mul3A_367 = arith.muli %mul3A_366, %select_n3A_365 : i32
      %mul3A_368 = arith.constant 4 : i32
      %mul3A_369 = arith.muli %add3A, %mul3A_368 : i32
      %add3A_370 = arith.addi %mul3A_369, %select_n3A_349 : i32
      %dma_start3A_371 = arith.constant 0 : i32
      %dma_start3A_372 = arith.constant 0 : i32
      %dma_start3A_373 = arith.constant 0 : i32
      %dma_start3A_374 = arith.constant 0 : i32
      %dma_start3A_375 = tpu.memref_slice %arg10[%dma_start3A_371, %dma_start3A_372, %dma_start3A_373, %dma_start3A_374] : memref<5x4x8x129xf32, #tpu.memory_space<vmem>> -> memref<5x4x8x128xf32, #tpu.memory_space<vmem>>
      %dma_start3A_376 = arith.constant 0 : i32
      %dma_start3A_377 = arith.constant 0 : i32
      %dma_start3A_378 = arith.constant 0 : i32
      %dma_start3A_379 = tpu.memref_slice %arg4[%mul3A_367, %dma_start3A_376, %add3A_370, %dma_start3A_377, %dma_start3A_378] : memref<50x4x128x8x128xf32, #tpu.memory_space<hbm>> -> memref<5x4x1x8x128xf32, #tpu.memory_space<hbm>>
      %dma_start3A_380 = tpu.memref_squeeze %dma_start3A_379 : memref<5x4x1x8x128xf32, #tpu.memory_space<hbm>> -> memref<5x4x8x128xf32, #tpu.memory_space<hbm>>
      %dma_start3A_381 = arith.constant 0 : i32
      %dma_start3A_382 = arith.constant 0 : i32
      %dma_start3A_383 = arith.constant 0 : i32
      %dma_start3A_384 = tpu.memref_slice %arg4[%mul3A_367, %dma_start3A_381, %add3A_370, %dma_start3A_382, %dma_start3A_383] : memref<50x4x128x8x128xf32, #tpu.memory_space<hbm>> -> memref<5x4x1x8x128xf32, #tpu.memory_space<hbm>>
      %dma_start3A_385 = tpu.memref_squeeze %dma_start3A_384 : memref<5x4x1x8x128xf32, #tpu.memory_space<hbm>> -> memref<5x4x8x128xf32, #tpu.memory_space<hbm>>
      %dma_start3A_386 = arith.constant 0 : i32
      %dma_start3A_387 = arith.constant 0 : i32
      %dma_start3A_388 = arith.constant 0 : i32
      %dma_start3A_389 = arith.constant 0 : i32
      %dma_start3A_390 = tpu.memref_slice %arg10[%dma_start3A_386, %dma_start3A_387, %dma_start3A_388, %dma_start3A_389] : memref<5x4x8x129xf32, #tpu.memory_space<vmem>> -> memref<5x4x8x128xf32, #tpu.memory_space<vmem>>
      tpu.enqueue_dma source(%dma_start3A_390 : memref<5x4x8x128xf32, #tpu.memory_space<vmem>>) target(%dma_start3A_385 : memref<5x4x8x128xf32, #tpu.memory_space<hbm>>) target_semaphore(%arg13 : memref<!tpu.dma_semaphore, #tpu.memory_space<semaphore_mem>>)
      %dma_wait3A_391 = arith.constant 0 : i32
      %dma_wait3A_392 = arith.constant 0 : i32
      %dma_wait3A_393 = tpu.memref_slice %arg9[%dma_wait3A_391, %dma_wait3A_392] : memref<640x32xf32, #tpu.memory_space<vmem>> -> memref<128x32xf32, #tpu.memory_space<vmem>>
      %dma_wait3A_394 = arith.constant 0 : i32
      %dma_wait3A_395 = tpu.memref_slice %arg7[%dma_wait3A_394] : memref<640xi32, #tpu.memory_space<vmem>> -> memref<128xi32, #tpu.memory_space<vmem>>
      %dma_wait3A_396 = arith.constant 0 : i32
      %dma_wait3A_397 = arith.constant 0 : i32
      %dma_wait3A_398 = tpu.memref_slice %arg2[%dma_wait3A_396, %dma_wait3A_397] : memref<1950x32xf32, #tpu.memory_space<hbm>> -> memref<1950x32xf32, #tpu.memory_space<hbm>>
      tpu.wait_indirect_dma semaphore(%arg12 : memref<!tpu.dma_semaphore, #tpu.memory_space<semaphore_mem>>) src(%dma_wait3A_398 : memref<1950x32xf32, #tpu.memory_space<hbm>>) dst(%dma_wait3A_393 : memref<128x32xf32, #tpu.memory_space<vmem>>)
      %dma_wait3A_399 = arith.constant 128 : i32
      %dma_wait3A_400 = arith.constant 0 : i32
      %dma_wait3A_401 = tpu.memref_slice %arg9[%dma_wait3A_399, %dma_wait3A_400] : memref<640x32xf32, #tpu.memory_space<vmem>> -> memref<128x32xf32, #tpu.memory_space<vmem>>
      %dma_wait3A_402 = arith.constant 128 : i32
      %dma_wait3A_403 = tpu.memref_slice %arg7[%dma_wait3A_402] : memref<640xi32, #tpu.memory_space<vmem>> -> memref<128xi32, #tpu.memory_space<vmem>>
      %dma_wait3A_404 = arith.constant 0 : i32
      %dma_wait3A_405 = arith.constant 0 : i32
      %dma_wait3A_406 = tpu.memref_slice %arg2[%dma_wait3A_404, %dma_wait3A_405] : memref<1950x32xf32, #tpu.memory_space<hbm>> -> memref<1950x32xf32, #tpu.memory_space<hbm>>
      tpu.wait_indirect_dma semaphore(%arg12 : memref<!tpu.dma_semaphore, #tpu.memory_space<semaphore_mem>>) src(%dma_wait3A_406 : memref<1950x32xf32, #tpu.memory_space<hbm>>) dst(%dma_wait3A_401 : memref<128x32xf32, #tpu.memory_space<vmem>>)
      %dma_wait3A_407 = arith.constant 256 : i32
      %dma_wait3A_408 = arith.constant 0 : i32
      %dma_wait3A_409 = tpu.memref_slice %arg9[%dma_wait3A_407, %dma_wait3A_408] : memref<640x32xf32, #tpu.memory_space<vmem>> -> memref<128x32xf32, #tpu.memory_space<vmem>>
      %dma_wait3A_410 = arith.constant 256 : i32
      %dma_wait3A_411 = tpu.memref_slice %arg7[%dma_wait3A_410] : memref<640xi32, #tpu.memory_space<vmem>> -> memref<128xi32, #tpu.memory_space<vmem>>
      %dma_wait3A_412 = arith.constant 0 : i32
      %dma_wait3A_413 = arith.constant 0 : i32
      %dma_wait3A_414 = tpu.memref_slice %arg2[%dma_wait3A_412, %dma_wait3A_413] : memref<1950x32xf32, #tpu.memory_space<hbm>> -> memref<1950x32xf32, #tpu.memory_space<hbm>>
      tpu.wait_indirect_dma semaphore(%arg12 : memref<!tpu.dma_semaphore, #tpu.memory_space<semaphore_mem>>) src(%dma_wait3A_414 : memref<1950x32xf32, #tpu.memory_space<hbm>>) dst(%dma_wait3A_409 : memref<128x32xf32, #tpu.memory_space<vmem>>)
      %dma_wait3A_415 = arith.constant 384 : i32
      %dma_wait3A_416 = arith.constant 0 : i32
      %dma_wait3A_417 = tpu.memref_slice %arg9[%dma_wait3A_415, %dma_wait3A_416] : memref<640x32xf32, #tpu.memory_space<vmem>> -> memref<128x32xf32, #tpu.memory_space<vmem>>
      %dma_wait3A_418 = arith.constant 384 : i32
      %dma_wait3A_419 = tpu.memref_slice %arg7[%dma_wait3A_418] : memref<640xi32, #tpu.memory_space<vmem>> -> memref<128xi32, #tpu.memory_space<vmem>>
      %dma_wait3A_420 = arith.constant 0 : i32
      %dma_wait3A_421 = arith.constant 0 : i32
      %dma_wait3A_422 = tpu.memref_slice %arg2[%dma_wait3A_420, %dma_wait3A_421] : memref<1950x32xf32, #tpu.memory_space<hbm>> -> memref<1950x32xf32, #tpu.memory_space<hbm>>
      tpu.wait_indirect_dma semaphore(%arg12 : memref<!tpu.dma_semaphore, #tpu.memory_space<semaphore_mem>>) src(%dma_wait3A_422 : memref<1950x32xf32, #tpu.memory_space<hbm>>) dst(%dma_wait3A_417 : memref<128x32xf32, #tpu.memory_space<vmem>>)
      %dma_wait3A_423 = arith.constant 512 : i32
      %dma_wait3A_424 = arith.constant 0 : i32
      %dma_wait3A_425 = tpu.memref_slice %arg9[%dma_wait3A_423, %dma_wait3A_424] : memref<640x32xf32, #tpu.memory_space<vmem>> -> memref<128x32xf32, #tpu.memory_space<vmem>>
      %dma_wait3A_426 = arith.constant 512 : i32
      %dma_wait3A_427 = tpu.memref_slice %arg7[%dma_wait3A_426] : memref<640xi32, #tpu.memory_space<vmem>> -> memref<128xi32, #tpu.memory_space<vmem>>
      %dma_wait3A_428 = arith.constant 0 : i32
      %dma_wait3A_429 = arith.constant 0 : i32
      %dma_wait3A_430 = tpu.memref_slice %arg2[%dma_wait3A_428, %dma_wait3A_429] : memref<1950x32xf32, #tpu.memory_space<hbm>> -> memref<1950x32xf32, #tpu.memory_space<hbm>>
      tpu.wait_indirect_dma semaphore(%arg12 : memref<!tpu.dma_semaphore, #tpu.memory_space<semaphore_mem>>) src(%dma_wait3A_430 : memref<1950x32xf32, #tpu.memory_space<hbm>>) dst(%dma_wait3A_425 : memref<128x32xf32, #tpu.memory_space<vmem>>)
      %dma_wait3A_431 = arith.constant 0 : i32
      %dma_wait3A_432 = arith.constant 0 : i32
      %dma_wait3A_433 = arith.constant 0 : i32
      %dma_wait3A_434 = arith.constant 0 : i32
      %dma_wait3A_435 = tpu.memref_slice %arg10[%dma_wait3A_431, %dma_wait3A_432, %dma_wait3A_433, %dma_wait3A_434] : memref<5x4x8x129xf32, #tpu.memory_space<vmem>> -> memref<5x4x8x128xf32, #tpu.memory_space<vmem>>
      %dma_wait3A_436 = arith.constant 0 : i32
      %dma_wait3A_437 = arith.constant 0 : i32
      %dma_wait3A_438 = arith.constant 0 : i32
      %dma_wait3A_439 = tpu.memref_slice %arg4[%mul3A_367, %dma_wait3A_436, %add3A_370, %dma_wait3A_437, %dma_wait3A_438] : memref<50x4x128x8x128xf32, #tpu.memory_space<hbm>> -> memref<5x4x1x8x128xf32, #tpu.memory_space<hbm>>
      %dma_wait3A_440 = tpu.memref_squeeze %dma_wait3A_439 : memref<5x4x1x8x128xf32, #tpu.memory_space<hbm>> -> memref<5x4x8x128xf32, #tpu.memory_space<hbm>>
      %dma_wait3A_441 = arith.constant 0 : i32
      %dma_wait3A_442 = arith.constant 0 : i32
      %dma_wait3A_443 = arith.constant 0 : i32
      %dma_wait3A_444 = tpu.memref_slice %arg4[%mul3A_367, %dma_wait3A_441, %add3A_370, %dma_wait3A_442, %dma_wait3A_443] : memref<50x4x128x8x128xf32, #tpu.memory_space<hbm>> -> memref<5x4x1x8x128xf32, #tpu.memory_space<hbm>>
      %dma_wait3A_445 = tpu.memref_squeeze %dma_wait3A_444 : memref<5x4x1x8x128xf32, #tpu.memory_space<hbm>> -> memref<5x4x8x128xf32, #tpu.memory_space<hbm>>
      %dma_wait3A_446 = arith.constant 0 : i32
      %dma_wait3A_447 = arith.constant 0 : i32
      %dma_wait3A_448 = arith.constant 0 : i32
      %dma_wait3A_449 = arith.constant 0 : i32
      %dma_wait3A_450 = tpu.memref_slice %arg10[%dma_wait3A_446, %dma_wait3A_447, %dma_wait3A_448, %dma_wait3A_449] : memref<5x4x8x129xf32, #tpu.memory_space<vmem>> -> memref<5x4x8x128xf32, #tpu.memory_space<vmem>>
      tpu.wait_dma2 semaphore(%arg13 : memref<!tpu.dma_semaphore, #tpu.memory_space<semaphore_mem>>) src(%dma_wait3A_450 : memref<5x4x8x128xf32, #tpu.memory_space<vmem>>) dst(%dma_wait3A_445 : memref<5x4x8x128xf32, #tpu.memory_space<hbm>>)
      %scan3A_451 = arith.constant 0 : i32
      %scan3A_452 = arith.constant 0 : i32
      %scan3A_453 = arith.constant 80 : i32
      %scan3A_454 = arith.addi %scan3A_452, %scan3A_453 : i32
      %scan3A_455 = arith.constant 1 : i32
      %scan3A_456 = scf.for %scan3A_524 = %scan3A_452 to %scan3A_454 step %scan3A_455 iter_args(%scan3A_525 = %scan3A_451) -> (i32)  : i32 {
        %jit3A_526 = arith.constant 16 : i32
        %div3A_527 = arith.divsi %scan3A_524, %jit3A_526 : i32
        %sign3A_528 = arith.constant 0 : i32
        %sign3A_529 = arith.cmpi sgt, %scan3A_524, %sign3A_528 : i32
        %sign3A_530 = arith.extui %sign3A_529 : i1 to i32
        %sign3A_531 = arith.constant 0 : i32
        %sign3A_532 = arith.cmpi slt, %scan3A_524, %sign3A_531 : i32
        %sign3A_533 = arith.extui %sign3A_532 : i1 to i32
        %sign3A_534 = arith.subi %sign3A_530, %sign3A_533 : i32
        %sign3A_535 = arith.constant 0 : i32
        %sign3A_536 = arith.cmpi sgt, %jit3A_526, %sign3A_535 : i32
        %sign3A_537 = arith.extui %sign3A_536 : i1 to i32
        %sign3A_538 = arith.constant 0 : i32
        %sign3A_539 = arith.cmpi slt, %jit3A_526, %sign3A_538 : i32
        %sign3A_540 = arith.extui %sign3A_539 : i1 to i32
        %sign3A_541 = arith.subi %sign3A_537, %sign3A_540 : i32
        %ne3A_542 = arith.cmpi ne, %sign3A_534, %sign3A_541 : i32
        %rem3A_543 = arith.remsi %scan3A_524, %jit3A_526 : i32
        %ne3A_544 = arith.constant 0 : i32
        %ne3A_545 = arith.cmpi ne, %rem3A_543, %ne3A_544 : i32
        %and3A_546 = arith.andi %ne3A_542, %ne3A_545 : i1
        %sub3A_547 = arith.constant 1 : i32
        %sub3A_548 = arith.subi %div3A_527, %sub3A_547 : i32
        %select_n3A_549 = arith.select %and3A_546, %sub3A_548, %div3A_527 : i32
        %jit3A_550 = arith.constant 16 : i32
        %eq3A_551 = arith.constant 0 : i32
        %eq3A_552 = arith.cmpi eq, %jit3A_550, %eq3A_551 : i32
        %jit3A_553 = arith.constant 1 : i32
        %select_n3A_554 = arith.select %eq3A_552, %jit3A_553, %jit3A_550 : i32
        %rem3A_555 = arith.remsi %scan3A_524, %select_n3A_554 : i32
        %ne3A_556 = arith.constant 0 : i32
        %ne3A_557 = arith.cmpi ne, %rem3A_555, %ne3A_556 : i32
        %lt3A_558 = arith.constant 0 : i32
        %lt3A_559 = arith.cmpi slt, %rem3A_555, %lt3A_558 : i32
        %lt3A_560 = arith.constant 0 : i32
        %lt3A_561 = arith.cmpi slt, %select_n3A_554, %lt3A_560 : i32
        %ne3A_562 = arith.xori %lt3A_559, %lt3A_561 : i1
        %and3A_563 = arith.andi %ne3A_562, %ne3A_557 : i1
        %add3A_564 = arith.addi %rem3A_555, %select_n3A_554 : i32
        %select_n3A_565 = arith.select %and3A_563, %add3A_564, %rem3A_555 : i32
        %mul3A_566 = arith.constant 8 : i32
        %mul3A_567 = arith.muli %select_n3A_565, %mul3A_566 : i32
        %add3A_568 = vector.broadcast %select_n3A_549 : i32 to vector<16xi32>
        %add3A_569 = arith.addi %mul3A_5, %add3A_568 : vector<16xi32>
        %add3A_570 = arith.constant 0 : i32
        %add3A_571 = arith.addi %mul3A_567, %add3A_570 : i32
        %mul3A_572 = arith.constant 128 : i32
        %mul3A_573 = arith.muli %select_n3A_549, %mul3A_572 : i32
        %add3A_574 = arith.addi %mul3A_573, %add3A_571 : i32
        %add3A_575 = vector.broadcast %add3A_571 : i32 to vector<16xi32>
        %add3A_576 = arith.addi %mul3A_5, %add3A_575 : vector<16xi32>
        %get3A = arith.index_cast %add3A_574 : i32 to index
        %get3A_577 = arith.constant 0 : index
        %get3A_578 = tpu.vector_load %arg9[%get3A, %get3A_577] {strides = array<i32>} : memref<640x32xf32, #tpu.memory_space<vmem>>, vector<16xf32>,
        %get3A_579 = arith.index_cast %add3A_574 : i32 to index
        %get3A_580 = arith.constant 16 : index
        %get3A_581 = tpu.vector_load %arg9[%get3A_579, %get3A_580] {strides = array<i32>} : memref<640x32xf32, #tpu.memory_space<vmem>>, vector<16xf32>,
        tpu.vector_store_idx %arg10[%add3A_569, %select_n3A, %select_n3A_51, %add3A_576], %get3A_578 : memref<5x4x8x129xf32, #tpu.memory_space<vmem>>[vector<16xi32>, vector<16xi32>, vector<16xi32>, vector<16xi32>], vector<16xf32>,
        tpu.vector_store_idx %arg10[%add3A_569, %add3A_31, %select_n3A_51, %add3A_576], %get3A_581 : memref<5x4x8x129xf32, #tpu.memory_space<vmem>>[vector<16xi32>, vector<16xi32>, vector<16xi32>, vector<16xi32>], vector<16xf32>,
        %add3A_582 = arith.constant 1 : i32
        %add3A_583 = arith.addi %mul3A_567, %add3A_582 : i32
        %mul3A_584 = arith.constant 128 : i32
        %mul3A_585 = arith.muli %select_n3A_549, %mul3A_584 : i32
        %add3A_586 = arith.addi %mul3A_585, %add3A_583 : i32
        %add3A_587 = vector.broadcast %add3A_583 : i32 to vector<16xi32>
        %add3A_588 = arith.addi %mul3A_5, %add3A_587 : vector<16xi32>
        %get3A_589 = arith.index_cast %add3A_586 : i32 to index
        %get3A_590 = arith.constant 0 : index
        %get3A_591 = tpu.vector_load %arg9[%get3A_589, %get3A_590] {strides = array<i32>} : memref<640x32xf32, #tpu.memory_space<vmem>>, vector<16xf32>,
        %get3A_592 = arith.index_cast %add3A_586 : i32 to index
        %get3A_593 = arith.constant 16 : index
        %get3A_594 = tpu.vector_load %arg9[%get3A_592, %get3A_593] {strides = array<i32>} : memref<640x32xf32, #tpu.memory_space<vmem>>, vector<16xf32>,
        tpu.vector_store_idx %arg10[%add3A_569, %select_n3A, %select_n3A_51, %add3A_588], %get3A_591 : memref<5x4x8x129xf32, #tpu.memory_space<vmem>>[vector<16xi32>, vector<16xi32>, vector<16xi32>, vector<16xi32>], vector<16xf32>,
        tpu.vector_store_idx %arg10[%add3A_569, %add3A_31, %select_n3A_51, %add3A_588], %get3A_594 : memref<5x4x8x129xf32, #tpu.memory_space<vmem>>[vector<16xi32>, vector<16xi32>, vector<16xi32>, vector<16xi32>], vector<16xf32>,
        %add3A_595 = arith.constant 2 : i32
        %add3A_596 = arith.addi %mul3A_567, %add3A_595 : i32
        %mul3A_597 = arith.constant 128 : i32
        %mul3A_598 = arith.muli %select_n3A_549, %mul3A_597 : i32
        %add3A_599 = arith.addi %mul3A_598, %add3A_596 : i32
        %add3A_600 = vector.broadcast %add3A_596 : i32 to vector<16xi32>
        %add3A_601 = arith.addi %mul3A_5, %add3A_600 : vector<16xi32>
        %get3A_602 = arith.index_cast %add3A_599 : i32 to index
        %get3A_603 = arith.constant 0 : index
        %get3A_604 = tpu.vector_load %arg9[%get3A_602, %get3A_603] {strides = array<i32>} : memref<640x32xf32, #tpu.memory_space<vmem>>, vector<16xf32>,
        %get3A_605 = arith.index_cast %add3A_599 : i32 to index
        %get3A_606 = arith.constant 16 : index
        %get3A_607 = tpu.vector_load %arg9[%get3A_605, %get3A_606] {strides = array<i32>} : memref<640x32xf32, #tpu.memory_space<vmem>>, vector<16xf32>,
        tpu.vector_store_idx %arg10[%add3A_569, %select_n3A, %select_n3A_51, %add3A_601], %get3A_604 : memref<5x4x8x129xf32, #tpu.memory_space<vmem>>[vector<16xi32>, vector<16xi32>, vector<16xi32>, vector<16xi32>], vector<16xf32>,
        tpu.vector_store_idx %arg10[%add3A_569, %add3A_31, %select_n3A_51, %add3A_601], %get3A_607 : memref<5x4x8x129xf32, #tpu.memory_space<vmem>>[vector<16xi32>, vector<16xi32>, vector<16xi32>, vector<16xi32>], vector<16xf32>,
        %add3A_608 = arith.constant 3 : i32
        %add3A_609 = arith.addi %mul3A_567, %add3A_608 : i32
        %mul3A_610 = arith.constant 128 : i32
        %mul3A_611 = arith.muli %select_n3A_549, %mul3A_610 : i32
        %add3A_612 = arith.addi %mul3A_611, %add3A_609 : i32
        %add3A_613 = vector.broadcast %add3A_609 : i32 to vector<16xi32>
        %add3A_614 = arith.addi %mul3A_5, %add3A_613 : vector<16xi32>
        %get3A_615 = arith.index_cast %add3A_612 : i32 to index
        %get3A_616 = arith.constant 0 : index
        %get3A_617 = tpu.vector_load %arg9[%get3A_615, %get3A_616] {strides = array<i32>} : memref<640x32xf32, #tpu.memory_space<vmem>>, vector<16xf32>,
        %get3A_618 = arith.index_cast %add3A_612 : i32 to index
        %get3A_619 = arith.constant 16 : index
        %get3A_620 = tpu.vector_load %arg9[%get3A_618, %get3A_619] {strides = array<i32>} : memref<640x32xf32, #tpu.memory_space<vmem>>, vector<16xf32>,
        tpu.vector_store_idx %arg10[%add3A_569, %select_n3A, %select_n3A_51, %add3A_614], %get3A_617 : memref<5x4x8x129xf32, #tpu.memory_space<vmem>>[vector<16xi32>, vector<16xi32>, vector<16xi32>, vector<16xi32>], vector<16xf32>,
        tpu.vector_store_idx %arg10[%add3A_569, %add3A_31, %select_n3A_51, %add3A_614], %get3A_620 : memref<5x4x8x129xf32, #tpu.memory_space<vmem>>[vector<16xi32>, vector<16xi32>, vector<16xi32>, vector<16xi32>], vector<16xf32>,
        %add3A_621 = arith.constant 4 : i32
        %add3A_622 = arith.addi %mul3A_567, %add3A_621 : i32
        %mul3A_623 = arith.constant 128 : i32
        %mul3A_624 = arith.muli %select_n3A_549, %mul3A_623 : i32
        %add3A_625 = arith.addi %mul3A_624, %add3A_622 : i32
        %add3A_626 = vector.broadcast %add3A_622 : i32 to vector<16xi32>
        %add3A_627 = arith.addi %mul3A_5, %add3A_626 : vector<16xi32>
        %get3A_628 = arith.index_cast %add3A_625 : i32 to index
        %get3A_629 = arith.constant 0 : index
        %get3A_630 = tpu.vector_load %arg9[%get3A_628, %get3A_629] {strides = array<i32>} : memref<640x32xf32, #tpu.memory_space<vmem>>, vector<16xf32>,
        %get3A_631 = arith.index_cast %add3A_625 : i32 to index
        %get3A_632 = arith.constant 16 : index
        %get3A_633 = tpu.vector_load %arg9[%get3A_631, %get3A_632] {strides = array<i32>} : memref<640x32xf32, #tpu.memory_space<vmem>>, vector<16xf32>,
        tpu.vector_store_idx %arg10[%add3A_569, %select_n3A, %select_n3A_51, %add3A_627], %get3A_630 : memref<5x4x8x129xf32, #tpu.memory_space<vmem>>[vector<16xi32>, vector<16xi32>, vector<16xi32>, vector<16xi32>], vector<16xf32>,
        tpu.vector_store_idx %arg10[%add3A_569, %add3A_31, %select_n3A_51, %add3A_627], %get3A_633 : memref<5x4x8x129xf32, #tpu.memory_space<vmem>>[vector<16xi32>, vector<16xi32>, vector<16xi32>, vector<16xi32>], vector<16xf32>,
        %add3A_634 = arith.constant 5 : i32
        %add3A_635 = arith.addi %mul3A_567, %add3A_634 : i32
        %mul3A_636 = arith.constant 128 : i32
        %mul3A_637 = arith.muli %select_n3A_549, %mul3A_636 : i32
        %add3A_638 = arith.addi %mul3A_637, %add3A_635 : i32
        %add3A_639 = vector.broadcast %add3A_635 : i32 to vector<16xi32>
        %add3A_640 = arith.addi %mul3A_5, %add3A_639 : vector<16xi32>
        %get3A_641 = arith.index_cast %add3A_638 : i32 to index
        %get3A_642 = arith.constant 0 : index
        %get3A_643 = tpu.vector_load %arg9[%get3A_641, %get3A_642] {strides = array<i32>} : memref<640x32xf32, #tpu.memory_space<vmem>>, vector<16xf32>,
        %get3A_644 = arith.index_cast %add3A_638 : i32 to index
        %get3A_645 = arith.constant 16 : index
        %get3A_646 = tpu.vector_load %arg9[%get3A_644, %get3A_645] {strides = array<i32>} : memref<640x32xf32, #tpu.memory_space<vmem>>, vector<16xf32>,
        tpu.vector_store_idx %arg10[%add3A_569, %select_n3A, %select_n3A_51, %add3A_640], %get3A_643 : memref<5x4x8x129xf32, #tpu.memory_space<vmem>>[vector<16xi32>, vector<16xi32>, vector<16xi32>, vector<16xi32>], vector<16xf32>,
        tpu.vector_store_idx %arg10[%add3A_569, %add3A_31, %select_n3A_51, %add3A_640], %get3A_646 : memref<5x4x8x129xf32, #tpu.memory_space<vmem>>[vector<16xi32>, vector<16xi32>, vector<16xi32>, vector<16xi32>], vector<16xf32>,
        %add3A_647 = arith.constant 6 : i32
        %add3A_648 = arith.addi %mul3A_567, %add3A_647 : i32
        %mul3A_649 = arith.constant 128 : i32
        %mul3A_650 = arith.muli %select_n3A_549, %mul3A_649 : i32
        %add3A_651 = arith.addi %mul3A_650, %add3A_648 : i32
        %add3A_652 = vector.broadcast %add3A_648 : i32 to vector<16xi32>
        %add3A_653 = arith.addi %mul3A_5, %add3A_652 : vector<16xi32>
        %get3A_654 = arith.index_cast %add3A_651 : i32 to index
        %get3A_655 = arith.constant 0 : index
        %get3A_656 = tpu.vector_load %arg9[%get3A_654, %get3A_655] {strides = array<i32>} : memref<640x32xf32, #tpu.memory_space<vmem>>, vector<16xf32>,
        %get3A_657 = arith.index_cast %add3A_651 : i32 to index
        %get3A_658 = arith.constant 16 : index
        %get3A_659 = tpu.vector_load %arg9[%get3A_657, %get3A_658] {strides = array<i32>} : memref<640x32xf32, #tpu.memory_space<vmem>>, vector<16xf32>,
        tpu.vector_store_idx %arg10[%add3A_569, %select_n3A, %select_n3A_51, %add3A_653], %get3A_656 : memref<5x4x8x129xf32, #tpu.memory_space<vmem>>[vector<16xi32>, vector<16xi32>, vector<16xi32>, vector<16xi32>], vector<16xf32>,
        tpu.vector_store_idx %arg10[%add3A_569, %add3A_31, %select_n3A_51, %add3A_653], %get3A_659 : memref<5x4x8x129xf32, #tpu.memory_space<vmem>>[vector<16xi32>, vector<16xi32>, vector<16xi32>, vector<16xi32>], vector<16xf32>,
        %add3A_660 = arith.constant 7 : i32
        %add3A_661 = arith.addi %mul3A_567, %add3A_660 : i32
        %mul3A_662 = arith.constant 128 : i32
        %mul3A_663 = arith.muli %select_n3A_549, %mul3A_662 : i32
        %add3A_664 = arith.addi %mul3A_663, %add3A_661 : i32
        %add3A_665 = vector.broadcast %add3A_661 : i32 to vector<16xi32>
        %add3A_666 = arith.addi %mul3A_5, %add3A_665 : vector<16xi32>
        %get3A_667 = arith.index_cast %add3A_664 : i32 to index
        %get3A_668 = arith.constant 0 : index
        %get3A_669 = tpu.vector_load %arg9[%get3A_667, %get3A_668] {strides = array<i32>} : memref<640x32xf32, #tpu.memory_space<vmem>>, vector<16xf32>,
        %get3A_670 = arith.index_cast %add3A_664 : i32 to index
        %get3A_671 = arith.constant 16 : index
        %get3A_672 = tpu.vector_load %arg9[%get3A_670, %get3A_671] {strides = array<i32>} : memref<640x32xf32, #tpu.memory_space<vmem>>, vector<16xf32>,
        tpu.vector_store_idx %arg10[%add3A_569, %select_n3A, %select_n3A_51, %add3A_666], %get3A_669 : memref<5x4x8x129xf32, #tpu.memory_space<vmem>>[vector<16xi32>, vector<16xi32>, vector<16xi32>, vector<16xi32>], vector<16xf32>,
        tpu.vector_store_idx %arg10[%add3A_569, %add3A_31, %select_n3A_51, %add3A_666], %get3A_672 : memref<5x4x8x129xf32, #tpu.memory_space<vmem>>[vector<16xi32>, vector<16xi32>, vector<16xi32>, vector<16xi32>], vector<16xf32>,
        %scan3A_673 = arith.constant 0 : i32
        scf.yield %scan3A_673 : i32
      }
      %scan3A_457 = arith.constant 80 : i32
      %jit3A_458 = arith.constant 10 : i32
      %div3A_459 = arith.divsi %add3A_87, %jit3A_458 : i32
      %sign3A_460 = arith.constant 0 : i32
      %sign3A_461 = arith.cmpi sgt, %add3A_87, %sign3A_460 : i32
      %sign3A_462 = arith.extui %sign3A_461 : i1 to i32
      %sign3A_463 = arith.constant 0 : i32
      %sign3A_464 = arith.cmpi slt, %add3A_87, %sign3A_463 : i32
      %sign3A_465 = arith.extui %sign3A_464 : i1 to i32
      %sign3A_466 = arith.subi %sign3A_462, %sign3A_465 : i32
      %sign3A_467 = arith.constant 0 : i32
      %sign3A_468 = arith.cmpi sgt, %jit3A_458, %sign3A_467 : i32
      %sign3A_469 = arith.extui %sign3A_468 : i1 to i32
      %sign3A_470 = arith.constant 0 : i32
      %sign3A_471 = arith.cmpi slt, %jit3A_458, %sign3A_470 : i32
      %sign3A_472 = arith.extui %sign3A_471 : i1 to i32
      %sign3A_473 = arith.subi %sign3A_469, %sign3A_472 : i32
      %ne3A_474 = arith.cmpi ne, %sign3A_466, %sign3A_473 : i32
      %rem3A_475 = arith.remsi %add3A_87, %jit3A_458 : i32
      %ne3A_476 = arith.constant 0 : i32
      %ne3A_477 = arith.cmpi ne, %rem3A_475, %ne3A_476 : i32
      %and3A_478 = arith.andi %ne3A_474, %ne3A_477 : i1
      %sub3A_479 = arith.constant 1 : i32
      %sub3A_480 = arith.subi %div3A_459, %sub3A_479 : i32
      %select_n3A_481 = arith.select %and3A_478, %sub3A_480, %div3A_459 : i32
      %jit3A_482 = arith.constant 10 : i32
      %eq3A_483 = arith.constant 0 : i32
      %eq3A_484 = arith.cmpi eq, %jit3A_482, %eq3A_483 : i32
      %jit3A_485 = arith.constant 1 : i32
      %select_n3A_486 = arith.select %eq3A_484, %jit3A_485, %jit3A_482 : i32
      %rem3A_487 = arith.remsi %add3A_87, %select_n3A_486 : i32
      %ne3A_488 = arith.constant 0 : i32
      %ne3A_489 = arith.cmpi ne, %rem3A_487, %ne3A_488 : i32
      %lt3A_490 = arith.constant 0 : i32
      %lt3A_491 = arith.cmpi slt, %rem3A_487, %lt3A_490 : i32
      %lt3A_492 = arith.constant 0 : i32
      %lt3A_493 = arith.cmpi slt, %select_n3A_486, %lt3A_492 : i32
      %ne3A_494 = arith.xori %lt3A_491, %lt3A_493 : i1
      %and3A_495 = arith.andi %ne3A_494, %ne3A_489 : i1
      %add3A_496 = arith.addi %rem3A_487, %select_n3A_486 : i32
      %select_n3A_497 = arith.select %and3A_495, %add3A_496, %rem3A_487 : i32
      %mul3A_498 = arith.constant 5 : i32
      %mul3A_499 = arith.muli %mul3A_498, %select_n3A_497 : i32
      %mul3A_500 = arith.constant 4 : i32
      %mul3A_501 = arith.muli %add3A, %mul3A_500 : i32
      %add3A_502 = arith.addi %mul3A_501, %select_n3A_481 : i32
      %dma_start3A_503 = arith.constant 0 : i32
      %dma_start3A_504 = arith.constant 0 : i32
      %dma_start3A_505 = arith.constant 0 : i32
      %dma_start3A_506 = arith.constant 0 : i32
      %dma_start3A_507 = tpu.memref_slice %arg10[%dma_start3A_503, %dma_start3A_504, %dma_start3A_505, %dma_start3A_506] : memref<5x4x8x129xf32, #tpu.memory_space<vmem>> -> memref<5x4x8x128xf32, #tpu.memory_space<vmem>>
      %dma_start3A_508 = arith.constant 0 : i32
      %dma_start3A_509 = arith.constant 0 : i32
      %dma_start3A_510 = arith.constant 0 : i32
      %dma_start3A_511 = tpu.memref_slice %arg4[%mul3A_499, %dma_start3A_508, %add3A_502, %dma_start3A_509, %dma_start3A_510] : memref<50x4x128x8x128xf32, #tpu.memory_space<hbm>> -> memref<5x4x1x8x128xf32, #tpu.memory_space<hbm>>
      %dma_start3A_512 = tpu.memref_squeeze %dma_start3A_511 : memref<5x4x1x8x128xf32, #tpu.memory_space<hbm>> -> memref<5x4x8x128xf32, #tpu.memory_space<hbm>>
      %dma_start3A_513 = arith.constant 0 : i32
      %dma_start3A_514 = arith.constant 0 : i32
      %dma_start3A_515 = arith.constant 0 : i32
      %dma_start3A_516 = tpu.memref_slice %arg4[%mul3A_499, %dma_start3A_513, %add3A_502, %dma_start3A_514, %dma_start3A_515] : memref<50x4x128x8x128xf32, #tpu.memory_space<hbm>> -> memref<5x4x1x8x128xf32, #tpu.memory_space<hbm>>
      %dma_start3A_517 = tpu.memref_squeeze %dma_start3A_516 : memref<5x4x1x8x128xf32, #tpu.memory_space<hbm>> -> memref<5x4x8x128xf32, #tpu.memory_space<hbm>>
      %dma_start3A_518 = arith.constant 0 : i32
      %dma_start3A_519 = arith.constant 0 : i32
      %dma_start3A_520 = arith.constant 0 : i32
      %dma_start3A_521 = arith.constant 0 : i32
      %dma_start3A_522 = tpu.memref_slice %arg10[%dma_start3A_518, %dma_start3A_519, %dma_start3A_520, %dma_start3A_521] : memref<5x4x8x129xf32, #tpu.memory_space<vmem>> -> memref<5x4x8x128xf32, #tpu.memory_space<vmem>>
      tpu.enqueue_dma source(%dma_start3A_522 : memref<5x4x8x128xf32, #tpu.memory_space<vmem>>) target(%dma_start3A_517 : memref<5x4x8x128xf32, #tpu.memory_space<hbm>>) target_semaphore(%arg14 : memref<!tpu.dma_semaphore, #tpu.memory_space<semaphore_mem>>)
      %scan3A_523 = arith.constant 0 : i32
      scf.yield %scan3A_523 : i32
    }
    %scan3A_57 = arith.constant 20 : i32
    %dma_wait3A = arith.constant 0 : i32
    %dma_wait3A_58 = arith.constant 0 : i32
    %dma_wait3A_59 = arith.constant 0 : i32
    %dma_wait3A_60 = arith.constant 0 : i32
    %dma_wait3A_61 = arith.constant 0 : i32
    %dma_wait3A_62 = tpu.memref_slice %arg10[%dma_wait3A_58, %dma_wait3A_59, %dma_wait3A_60, %dma_wait3A_61] : memref<5x4x8x129xf32, #tpu.memory_space<vmem>> -> memref<5x4x8x128xf32, #tpu.memory_space<vmem>>
    %dma_wait3A_63 = arith.constant 0 : i32
    %dma_wait3A_64 = arith.constant 0 : i32
    %dma_wait3A_65 = arith.constant 0 : i32
    %dma_wait3A_66 = arith.constant 0 : i32
    %dma_wait3A_67 = tpu.memref_slice %arg4[%dma_wait3A_63, %dma_wait3A_64, %dma_wait3A, %dma_wait3A_65, %dma_wait3A_66] : memref<50x4x128x8x128xf32, #tpu.memory_space<hbm>> -> memref<5x4x1x8x128xf32, #tpu.memory_space<hbm>>
    %dma_wait3A_68 = tpu.memref_squeeze %dma_wait3A_67 : memref<5x4x1x8x128xf32, #tpu.memory_space<hbm>> -> memref<5x4x8x128xf32, #tpu.memory_space<hbm>>
    %dma_wait3A_69 = arith.constant 0 : i32
    %dma_wait3A_70 = arith.constant 0 : i32
    %dma_wait3A_71 = arith.constant 0 : i32
    %dma_wait3A_72 = arith.constant 0 : i32
    %dma_wait3A_73 = tpu.memref_slice %arg10[%dma_wait3A_69, %dma_wait3A_70, %dma_wait3A_71, %dma_wait3A_72] : memref<5x4x8x129xf32, #tpu.memory_space<vmem>> -> memref<5x4x8x128xf32, #tpu.memory_space<vmem>>
    %dma_wait3A_74 = arith.constant 0 : i32
    %dma_wait3A_75 = arith.constant 0 : i32
    %dma_wait3A_76 = arith.constant 0 : i32
    %dma_wait3A_77 = arith.constant 0 : i32
    %dma_wait3A_78 = tpu.memref_slice %arg4[%dma_wait3A_74, %dma_wait3A_75, %dma_wait3A, %dma_wait3A_76, %dma_wait3A_77] : memref<50x4x128x8x128xf32, #tpu.memory_space<hbm>> -> memref<5x4x1x8x128xf32, #tpu.memory_space<hbm>>
    %dma_wait3A_79 = tpu.memref_squeeze %dma_wait3A_78 : memref<5x4x1x8x128xf32, #tpu.memory_space<hbm>> -> memref<5x4x8x128xf32, #tpu.memory_space<hbm>>
    tpu.wait_dma2 semaphore(%arg14 : memref<!tpu.dma_semaphore, #tpu.memory_space<semaphore_mem>>) src(%dma_wait3A_79 : memref<5x4x8x128xf32, #tpu.memory_space<hbm>>) dst(%dma_wait3A_73 : memref<5x4x8x128xf32, #tpu.memory_space<vmem>>)
    return
  }
}

module attributes {stable_mosaic.version = 14 : i64} {
  func.func @_prep_body(%arg0: i32, %arg1: memref<1024x50xi32, #tpu.memory_space<vmem>>, %arg2: memref<39x32xf32, #tpu.memory_space<vmem>>, %arg3: memref<1x50x32xf32, #tpu.memory_space<vmem>>, %arg4: memref<1024x50xi32, #tpu.memory_space<vmem>>, %arg5: memref<39x50x32xf32, #tpu.memory_space<vmem>>) attributes {dimension_semantics = [#tpu.dimension_semantics<arbitrary>], iteration_bounds = array<i64: 16>, scalar_prefetch = 0 : i64, scratch_operands = 0 : i64, tpu.core_type = #tpu.core_type<tc>, window_params = [{transform_indices = @transform_0, window_bounds = array<i64: 1024, 50>}, {pipeline_mode = #tpu.pipeline_mode<synchronous>, transform_indices = @transform_1, window_bounds = array<i64: 39, 32>}, {pipeline_mode = #tpu.pipeline_mode<synchronous>, transform_indices = @transform_2, window_bounds = array<i64: 1, 50, 32>}, {transform_indices = @transform_3, window_bounds = array<i64: 1024, 50>}, {pipeline_mode = #tpu.pipeline_mode<synchronous>, transform_indices = @transform_4, window_bounds = array<i64: 39, 50, 32>}]} {
    %eq3A = arith.constant 0 : i32
    %eq3A_0 = arith.cmpi eq, %arg0, %eq3A : i32
    %convert_element_type3A = arith.extui %eq3A_0 : i1 to i32
    %cond3A = arith.constant 0 : i32
    %cond3A_1 = arith.cmpi ne, %convert_element_type3A, %cond3A : i32
    scf.if %cond3A_1 {
      %get3A_8 = arith.constant 0 : index
      %get3A_9 = arith.constant 0 : index
      %get3A_10 = vector.load %arg2[%get3A_8, %get3A_9] : memref<39x32xf32, #tpu.memory_space<vmem>>, vector<39x32xf32>
      %broadcast_in_dim3A = vector.shape_cast %get3A_10 : vector<39x32xf32> to vector<39x1x32xf32>
      %get3A_11 = arith.constant 0 : index
      %get3A_12 = arith.constant 0 : index
      %get3A_13 = arith.constant 0 : index
      %get3A_14 = vector.load %arg3[%get3A_11, %get3A_12, %get3A_13] : memref<1x50x32xf32, #tpu.memory_space<vmem>>, vector<1x50x32xf32>
      %add3A_15 = vector.broadcast %broadcast_in_dim3A : vector<39x1x32xf32> to vector<39x50x32xf32>
      %add3A_16 = vector.broadcast %get3A_14 : vector<1x50x32xf32> to vector<39x50x32xf32>
      %add3A_17 = arith.addf %add3A_15, %add3A_16 : vector<39x50x32xf32>
      %swap3A_18 = arith.constant 0 : index
      %swap3A_19 = arith.constant 0 : index
      %swap3A_20 = arith.constant 0 : index
      %swap3A_21 = vector.load %arg5[%swap3A_18, %swap3A_19, %swap3A_20] : memref<39x50x32xf32, #tpu.memory_space<vmem>>, vector<39x50x32xf32>
      tpu.vector_store %arg5[%swap3A_18, %swap3A_19, %swap3A_20], %add3A_17 {strides = array<i32>} : memref<39x50x32xf32, #tpu.memory_space<vmem>>, vector<39x50x32xf32>,
    } else {
    }
    %iota3A = tpu.iota {dimensions = array<i32: 1>} : vector<1024x50xi32>
    %get3A = arith.constant 0 : index
    %get3A_2 = arith.constant 0 : index
    %get3A_3 = vector.load %arg1[%get3A, %get3A_2] : memref<1024x50xi32, #tpu.memory_space<vmem>>, vector<1024x50xi32>
    %mul3A = arith.constant 50 : i32
    %mul3A_4 = vector.broadcast %mul3A : i32 to vector<1024x50xi32>
    %mul3A_5 = arith.muli %get3A_3, %mul3A_4 : vector<1024x50xi32>
    %add3A = arith.addi %mul3A_5, %iota3A : vector<1024x50xi32>
    %swap3A = arith.constant 0 : index
    %swap3A_6 = arith.constant 0 : index
    %swap3A_7 = vector.load %arg4[%swap3A, %swap3A_6] : memref<1024x50xi32, #tpu.memory_space<vmem>>, vector<1024x50xi32>
    tpu.vector_store %arg4[%swap3A, %swap3A_6], %add3A {strides = array<i32>} : memref<1024x50xi32, #tpu.memory_space<vmem>>, vector<1024x50xi32>,
    return
  }
  func.func @transform_0(%arg0: i32) -> (i32, i32) {
    %c0_i32 = arith.constant 0 : i32
    %c0_i32_0 = arith.constant 0 : i32
    return %arg0, %c0_i32 : i32, i32
  }
  func.func @transform_1(%arg0: i32) -> (i32, i32) {
    %c0_i32 = arith.constant 0 : i32
    %c0_i32_0 = arith.constant 0 : i32
    %c0_i32_1 = arith.constant 0 : i32
    return %c0_i32, %c0_i32_0 : i32, i32
  }
  func.func @transform_2(%arg0: i32) -> (i32, i32, i32) {
    %c0_i32 = arith.constant 0 : i32
    %c0_i32_0 = arith.constant 0 : i32
    %c0_i32_1 = arith.constant 0 : i32
    %c0_i32_2 = arith.constant 0 : i32
    return %c0_i32, %c0_i32_0, %c0_i32_1 : i32, i32, i32
  }
  func.func @transform_3(%arg0: i32) -> (i32, i32) {
    %c0_i32 = arith.constant 0 : i32
    %c0_i32_0 = arith.constant 0 : i32
    return %arg0, %c0_i32 : i32, i32
  }
  func.func @transform_4(%arg0: i32) -> (i32, i32, i32) {
    %c0_i32 = arith.constant 0 : i32
    %c0_i32_0 = arith.constant 0 : i32
    %c0_i32_1 = arith.constant 0 : i32
    %c0_i32_2 = arith.constant 0 : i32
    return %c0_i32, %c0_i32_0, %c0_i32_1 : i32, i32, i32
  }
}

</mosaic_0001>

<sc_bundles>
// kernel: kernel.4.cloned.1.call-start
scs
__scs_entry_jumppad:
0x0: {  	(pc) =	sbr.rel $0x88, $3  }
0x1: {  	(tag) =	ssettag $0x0;
	lr =	simm.s32 $0x1  }
0x2: {  	[smem:$0x3F9E] =	sst lr;
	_ =	strace $0xD0000000  }
0x3: {  	_ = 	snop  }
0x4: {  	_ = 	snop  }
0x5: {  	_ = 	snop  }
0x6: {  	_ = 	snop  }
0x7: {  	_ = 	snop  }
__scs_overlays_trampoline_lowered:
0x8: {  	[smem:$0x3FAD] =	sst s0  }
0x9: {  	[smem:$0x3FAE] =	sst s1  }
0xa: {  	[smem:$0x3FAF] =	sst s2  }
0xb: {  	[smem:$0x3FB0] =	sst s3  }
0xc: {  	[smem:$0x3FB1] =	sst s4  }
0xd: {  	[smem:$0x3FB2] =	sst s5  }
0xe: {  	[smem:$0x3FB3] =	sst s6  }
0xf: {  	[smem:$0x3FB4] =	sst s7  }
0x10: {  	[smem:$0x3FB5] =	sst s8  }
0x11: {  	[smem:$0x3FB6] =	sst s9;
	s0 =	simm.s32 @!p0 $0x0  }
0x12: {  	s1 =	sld [smem:$0x3F9C];
	s0 =	simm.s32 @p0 $0x1  }
0x13: {  	[smem:$0x3FB7] =	sst s0;
	s0 =	simm.s32 @!p1 $0x0  }
0x14: {  	s2 =	sld [smem:$0x3F9B];
	s0 =	simm.s32 @p1 $0x1  }
0x15: {  	[smem:$0x3FB8] =	sst s0;
	s0 =	simm.s32 @!p2 $0x0  }
0x16: {  	s3 =	sld [smem:$0x3FDB];
	s0 =	simm.s32 @p2 $0x1  }
0x17: {  	s4 =	simm.s32 $0x1BF5;
	[smem:$0x3FBA] =	sst s0  }
0x18: {  	s0 =	sld [smem:$0x3F9D];
	_ =	swait.ge [sflag:s4], $0x0  }
0x19: {  	s7 =	sld [smem:$0x3F9E]  }
0x1a: {  	s8 =	sadd.s32 $0xFFFFE003, lr  }
0x1b: {  	s9 =	sadd.s32 $0xFFFFFEF7, lr;
	s5 =	simm.s32 $0xFFFFFFFF;
	p2 =	slt.u32 s8, $0xFFFFF086  }
0x1c: {  	p1 =	slt.u32 s9, $0xF7A;
	s5 =	simm.s32 @!p2 $0x0  }
0x1d: {  	s5 =	simm.s32 @p1 $0x1;
	p0 =	seq.s32 s7, s2  }
0x1e: {  	s7 =	smul.u32 @!p0 $0xF7A, s2;
	p2 =	seq.s32 @!p0 s5, $0x0  }
0x1f: {  	s9 =	smul.u32 $0xF7A, s1;
	s8 =	simm.s32 @!p0 $0x1BF5;
	p2 =	por !p2, p0  }
0x20: {  	[sflag:s8] =	ssyncset.s32 @!p0 $0xFFFFF086;
	s6 =	sadd.s32 @!p0 s3, s7;
	s7 =	simm.s32 @!p0 $0x108  }
0x21: {  	s3 =	sadd.s32 s3, s9;
	s6 =	sadd.s32 @!p0 $0x88, s6;
	s7 =	simm.s32 @p2 $0x1082  }
0x22: {  	[simem:s7], [sflag:s8] =	dma.local @!p0 [hbm:s6], $0xF7A  }
0x23: {  	s9 =	sor.u32 $0xD0000000, s2;
	s6 =	simm.s32 $0x108;
	_ =	swait.ge @!p0 [sflag:s8], $0x0  }
0x24: {  	s3 =	sadd.s32 $0x88, s3;
	s6 =	simm.s32 @!p1 $0x1082;
	[sflag:s4] =	ssyncset.s32 $0xFFFFF086  }
0x25: {  	[simem:s6], [sflag:s4] =	dma.local [hbm:s3], $0xF7A  }
0x26: {  	[smem:$0x3F9E] =	sst s1;
	(tag) =	ssettag s2;
	_ =	strace s9  }
0x27: {  	s1 =	sld [smem:$0x3FAE]  }
0x28: {  	s2 =	sld [smem:$0x3FAF]  }
0x29: {  	s4 =	sld [smem:$0x3FB1]  }
0x2a: {  	p0 =	seq.s32 s5, $0x0;
	s5 =	sld [smem:$0x3FB2]  }
0x2b: {  	s6 =	sld [smem:$0x3FB3]  }
0x2c: {  	s7 =	sld [smem:$0x3FB4]  }
0x2d: {  	s3 =	simm.s32 $0x108;
	s8 =	sld [smem:$0x3FB5]  }
0x2e: {  	s3 =	simm.s32 @!p0 $0x1082;
	s9 =	sld [smem:$0x3FB6]  }
0x2f: {  	lr =	sadd.s32 s0, s3;
	s0 =	sld [smem:$0x3FAD]  }
0x30: {  	s3 =	sld [smem:$0x3FB0]  }
0x31: {  	[smem:$0x3FB9] =	sst s10  }
0x32: {  	s10 =	sld [smem:$0x3FB7];
	_ =	sdelay $0x3  }
0x33: {  	p0 =	seq.s32 s10, $0x1;
	s10 =	sld [smem:$0x3FB9];
	_ =	sdelay $0x3  }
0x34: {  	[smem:$0x3FB9] =	sst s10  }
0x35: {  	s10 =	sld [smem:$0x3FB8];
	_ =	sdelay $0x3  }
0x36: {  	p1 =	seq.s32 s10, $0x1;
	s10 =	sld [smem:$0x3FB9];
	_ =	sdelay $0x3  }
0x37: {  	[smem:$0x3FB9] =	sst s10  }
0x38: {  	s10 =	sld [smem:$0x3FBA]  }
0x39: {  	_ = 	snop;
	(pc) =	sbr.ind lr, $3  }
0x3a: {  	_ = 	snop  }
0x3b: {  	_ = 	snop  }
0x3c: {  	p2 =	seq.s32 s10, $0x1;
	s10 =	sld [smem:$0x3FB9]  }
0x3d: {  	_ =	shalt  }
0x3e: {  	_ =	shalt  }
0x3f: {  	_ =	shalt  }
0x40: {  	_ =	shalt  }
0x41: {  	_ =	shalt  }
0x42: {  	_ =	shalt  }
0x43: {  	_ =	shalt  }
0x44: {  	_ =	shalt  }
0x45: {  	_ =	shalt  }
0x46: {  	_ =	shalt  }
0x47: {  	_ =	shalt  }
0x48: {  	_ =	shalt  }
0x49: {  	_ =	shalt  }
0x4a: {  	_ =	shalt  }
0x4b: {  	_ =	shalt  }
0x4c: {  	_ =	shalt  }
0x4d: {  	_ =	shalt  }
0x4e: {  	_ =	shalt  }
0x4f: {  	_ =	shalt  }
0x50: {  	_ =	shalt  }
0x51: {  	_ =	shalt  }
0x52: {  	_ =	shalt  }
0x53: {  	_ =	shalt  }
0x54: {  	_ =	shalt  }
0x55: {  	_ =	shalt  }
0x56: {  	_ =	shalt  }
0x57: {  	_ =	shalt  }
0x58: {  	_ =	shalt  }
0x59: {  	_ =	shalt  }
0x5a: {  	_ =	shalt  }
0x5b: {  	_ =	shalt  }
0x5c: {  	_ =	shalt  }
0x5d: {  	_ =	shalt  }
0x5e: {  	_ =	shalt  }
0x5f: {  	_ =	shalt  }
0x60: {  	_ =	shalt  }
0x61: {  	_ =	shalt  }
0x62: {  	_ =	shalt  }
0x63: {  	_ =	shalt  }
0x64: {  	_ =	shalt  }
0x65: {  	_ =	shalt  }
0x66: {  	_ =	shalt  }
0x67: {  	_ =	shalt  }
0x68: {  	_ =	shalt  }
0x69: {  	_ =	shalt  }
0x6a: {  	_ =	shalt  }
0x6b: {  	_ =	shalt  }
0x6c: {  	_ =	shalt  }
0x6d: {  	_ =	shalt  }
0x6e: {  	_ =	shalt  }
0x6f: {  	_ =	shalt  }
0x70: {  	_ =	shalt  }
0x71: {  	_ =	shalt  }
0x72: {  	_ =	shalt  }
0x73: {  	_ =	shalt  }
0x74: {  	_ =	shalt  }
0x75: {  	_ =	shalt  }
0x76: {  	_ =	shalt  }
0x77: {  	_ =	shalt  }
0x78: {  	_ =	shalt  }
0x79: {  	_ =	shalt  }
0x7a: {  	_ =	shalt  }
0x7b: {  	_ =	shalt  }
0x7c: {  	_ =	shalt  }
0x7d: {  	_ =	shalt  }
0x7e: {  	_ =	shalt  }
0x7f: {  	_ =	shalt  }
0x80: {  	_ =	shalt  }
0x81: {  	_ =	shalt  }
0x82: {  	_ =	shalt  }
0x83: {  	_ =	shalt  }
0x84: {  	_ =	shalt  }
0x85: {  	_ =	shalt  }
0x86: {  	_ =	shalt  }
0x87: {  	_ =	shalt  }
.Lfunc_end0:
.L_simem_size_0:
called_computation_lowered:
.L_overlay_start_0:
0x88: {  	s2 =	sld [smem:$0x3FD9]  }
0x89: {  	s3 =	sld [smem:$0x3FFE];
	_ =	sdelay $0x1  }
0x8a: {  	s1 =	srdreg.scid  }
0x8b: {  	s0 =	sand.u32 $0x1, s1  }
0x8c: {  	s17 =	sshll.u32 s0, $0xA;
	s2 =	sadd.s32 s3, s2  }
0x8d: {  	s2 =	sadd.s32 s2, s17  }
0x8e: {  	[smem:$0x3FC5] =	sst s2  }
0x8f: {  	_ = 	snop  }
0x90: {  	s2 =	sld [smem:$0x3FD0];
	(tm) =	ssettm $0x1  }
0x91: {  	s18 =	sld [smem:$0x3FFB];
	_ =	sdelay $0x3  }
0x92: {  	_ =	strace s18  }
0x93: {  	s3 =	sld [smem:$0x3FFC];
	_ =	sdelay $0x3  }
0x94: {  	_ =	strace s3  }
0x95: {  	s3 =	sld [smem:$0x3FFD];
	_ =	sdelay $0x3  }
0x96: {  	_ =	strace s3  }
0x97: {  	_ =	strace $0x8FFFFFFF  }
0x98: {  	s19 =	sld [smem:$0x3FDB];
	_ =	sdelay $0x1  }
0x99: {  	s4 =	simm.s32 $_scs_section_size  }
0x9a: {  	s5 =	simm.s32 $_size__tile_overlayer_lowered;
	s6 =	simm.s32 $_tile_overlayer_lowered  }
0x9b: {  	s22 =	simm.s32 $0x1BFF;
	s21 =	sshll.u32 s6, $0x1;
	s3 =	sadd.s32 s4, s19  }
0x9c: {  	s7 =	simm.s32 $0x0;
	s20 =	sshll.u32 s5, $0x1;
	s5 =	sadd.s32 s21, s3  }
0x9d: {  	[timem:s7], [sflag:s22] =	dma.local [hbm:s5], s20  }
0x9e: {  	_ =	swait.ge [sflag:s22], s20  }
0x9f: {  	s4 =	ssub.s32 $0x0, s20;
	[sflag:s22] =	ssyncset.done $0x0  }
0xa0: {  	[sflag:s22] =	ssyncadd.s32 s4;
	_ =	sdelay $0x1  }
0xa1: {  	s23 =	simm.s32 $0x1B8B  }
0xa2: {  	_ =	swait.ge [sflag:s23], $0x1  }
0xa3: {  	[sflag:s23] =	ssyncset.done $0x0  }
0xa4: {  	s25 =	simm.s32 $0x1B8E;
	s24 =	sld [smem:$0x3FFE];
	[sflag:s23] =	ssyncadd.s32 $0xFFFFFFFF  }
0xa5: {  	s26 =	simm.s32 $execute0_lowered;
	[smem:$0x3FD2] =	sst s25  }
0xa6: {  	s5 =	sshll.u32 s26, $0x1;
	_ =	strace $0x80000046;
	[dreg:$0x1] =	wrdreg $0xFFFFFFFF  }
0xa7: {  	s28 =	simm.s32 $_size_execute0_lowered;
	s3 =	sadd.s32 s3, s5;
	[dreg:$0x0] =	wrdreg $0x0  }
0xa8: {  	s5 =	sshll.u32 s28, $0x1;
	[dreg:$0x2] =	wrdreg s3  }
0xa9: {  	[dreg:$0x3] =	wrdreg s5  }
0xaa: {  	[dreg:$0x4] =	wrdreg $0xC0  }
0xab: {  	_ =	task [dreg:s7], $0x5FFFF  }
0xac: {  	[dreg:$0x1] =	wrdreg $0xFFFFFFFF  }
0xad: {  	[dreg:$0x0] =	wrdreg $0x60  }
0xae: {  	[dreg:$0x2] =	wrdreg s24  }
0xaf: {  	[dreg:$0x3] =	wrdreg s2  }
0xb0: {  	[dreg:$0x4] =	wrdreg $0x9  }
0xb1: {  	_ =	task.clear_ibuf [dreg:s7], $0x5FFFF;
	_ =	strace $0x90000046  }
0xb2: {  	s29 =	simm.s32 $0x9;
	_ =	strace $0x80000048  }
0xb3: {  	_ =	swait.ge [sflag:s29], $0x1  }
0xb4: {  	[sflag:s29] =	ssyncadd.s32 $0xFFFFFFFF  }
0xb5: {  	_ =	strace $0x90000048  }
0xb6: {  	_ =	sfence  }
0xb7: {  	s30 =	sld [smem:$0x0];
	_ =	sdelay $0x2  }
0xb8: {  	s31 =	sshll.u32 s1, $0xD;
	s1 =	sshrl.u32 s1, $0x2  }
0xb9: {  	s3 =	sand.u32 $0x4000, s31;
	s1 =	sadd.s32 s1, s30  }
0xba: {  	s0 =	sor.u32 s3, s0;
	s1 =	sshll.u32 s1, $0x11  }
0xbb: {  	s0 =	sor.u32 s1, s0  }
0xbc: {  	s0 =	sadd.s32 $0x8F2B, s0  }
0xbd: {  	[sflag:s0] =	ssyncadd.remote.s32 $0x1  }
0xbe: {  	_ =	sfence.sel $0xFFFF  }
0xbf: {  	[dreg:$0x0] =	wrdreg $0xFFFFFFFF;
	(pc) =	sbr.abs _section_cstart, $3  }
0xc0: {  	[dreg:$0x1] =	wrdreg $0xFFFFFFFF  }
0xc1: {  	_ =	task.clear_ibuf [dreg:s7], $0x2FFFF;
	_ =	strace $0x9FFFFFFF  }
0xc2: {  	(tm) =	ssettm $0x7FFFFFFF  }
0xc3: {  	_ =	shalt  }
tec
execute0_lowered:
.L_overlay_start_1:
0x0: {  	(tag) =	ssettag $0x1  }
0x1: {  	s0 =	srdreg.scid;
	s2 =	stileid.u32  }
0x2: {  	s1 =	rddreg [dreg:$0x0];
	s9 =	simm.s32 $0x80;
	s29 =	simm.s32 $0x6880  }
0x3: {  	s30 =	simm.s32 $0xF900;
	s0 =	sand.u32 $0x1, s0;
	s3 =	sshll.u32 s2, $0x1  }
0x4: {  	s31 =	simm.s32 $0x1;
	s2 =	rddreg [dreg:$0x1];
	s5 =	sor.u32 s0, s3  }
0x5: {  	s3 =	simm.s32 $0x0;
	s0 =	ssub.s32 $0x2, s0;
	s4 =	smul.u32 $0xC80, s5  }
0x6: {  	s10 =	simm.s32 $0x0;
	[smem:$0x7FF] =	sst s3;
	s7 =	sshrl.u32 s0, $0x1  }
0x7: {  	v1 =	vlaneseq.u32;
	_ =	strace $0x80000047;
	s0 =	ssub.s32 s0, s7;
	s6 =	sadd.s32 s4, s1  }
0x8: {  	v0 =	vmul.u32 $0x88, v1;
	s4 =	sadd.s32 $0x600, s1;
	s0 =	smax.u32 s0, $0x1;
	s1 =	simm.s32 $0x10900  }
0x9: {  	v2 =	vimm.s32 $0x0;
	vm0 =	vcmask $0x300;
	v1 =	vmul.u32 $0x32, v1;
	s28 =	sadd.s32 $0x2600, s6;
	s6 =	sshll.u32 s5, $0xC;
	[dreg:$0x4] =	wrdreg s0  }
0xa: {  	v2 =	vsel vm0, $0x3, v2;
	v3 =	vadd.s32 $0x880, v0;
	s0 =	simm.s32 $0x2;
	s5 =	simm.s32 $0x3;
	[dreg:$0x3] =	wrdreg s28  }
.LBB2_1:
0xb: {  	[dreg:$0x5] =	wrdreg s10  }
0xc: {  	s7 =	rddreg [dreg:$0x3];
	s28 =	simm.s32 $0x5  }
0xd: {  	[tilespmem:s3], [sflag:$0x5] =	stream.linear.gather [hbm4b:s7+s3], $0x6400, $0x38;
	[tilespmem:$0x15E00] =	vst v63  }
0xe: {  	_ =	swait.ge [sflag:s28], $0x6400  }
0xf: {  	s8 =	simm.s32 $0x0;
	[sflag:s28] =	ssyncset.done $0x0  }
0x10: {  	s10 =	simm.s32 $0x0;
	s7 =	simm.s32 $0x0;
	[sflag:s28] =	ssyncadd.s32 $0xFFFF9C00  }
.LBB2_2:
0x11: {  	s11 =	smulhi.u32 $0xCCCCCCCD, s10  }
0x12: {  	s12 =	smulhi.u32 $0xCCCCCCCD, s7  }
0x13: {  	s11 =	sshrl.u32 s11, $0x2  }
0x14: {  	s12 =	sshrl.u32 s12, $0x3;
	s11 =	smul.u32 $0x1900, s11  }
0x15: {  	s12 =	smul.u32 $0x32, s12  }
0x16: {  	s11 =	sadd.s32 s11, s8  }
0x17: {  	s14 =	ssub.s32 s11, s12  }
0x18: {  	s11 =	sadd.s32 $0x0, s14  }
0x19: {  	v4 =	vadd.s32 s11, v1;
	_ =	sdelay $0x4  }
0x1a: {  	s21 =	sadd.s32 $0x1, s11;
	v4 =	vld.idx.msk [tilespmem:v4+s3+$0x0], $0xffff  }
0x1b: {  	v5 =	vadd.s32 s21, v1;
	_ =	sdelay $0x2  }
0x1c: {  	s15 =	simm.s32 $0x6500  }
0x1d: {  	[tilespmem:s15+$0xFFFFFF00] =	vst v4  }
0x1e: {  	s22 =	sadd.s32 $0x2, s11;
	v4 =	vld.idx.msk [tilespmem:v5+s3+$0x0], $0xffff  }
0x1f: {  	v5 =	vadd.s32 s22, v1;
	_ =	sdelay $0x3  }
0x20: {  	[tilespmem:s15+$0xFFFFFF80] =	vst v4  }
0x21: {  	s23 =	sadd.s32 $0x3, s11;
	v4 =	vld.idx.msk [tilespmem:v5+s3+$0x0], $0xffff  }
0x22: {  	v5 =	vadd.s32 s23, v1;
	_ =	sdelay $0x3  }
0x23: {  	s24 =	smul.u32 $0x19A, s10;
	[tilespmem:s15+$0x0] =	vst v4  }
0x24: {  	s11 =	sadd.s32 $0x4, s11;
	v4 =	vld.idx.msk [tilespmem:v5+s3+$0x0], $0xffff  }
0x25: {  	s12 =	sshrl.u32 s24, $0xB;
	v5 =	vadd.s32 s11, v1  }
0x26: {  	s13 =	smul.u32 $0xCD, s10;
	s25 =	sand.u32 $0x1F, s12  }
0x27: {  	s16 =	smul.u32 $0xA, s25  }
0x28: {  	s11 =	sshll.u32 s10, $0x1  }
0x29: {  	s17 =	simm.s32 $0x640;
	s26 =	sshrl.u32 s13, $0xA;
	s28 =	ssub.s32 s11, s16;
	[tilespmem:s15+$0x80] =	vst v4  }
0x2a: {  	s12 =	sand.u32 $0x3F, s26;
	s16 =	sadd.s32 $0x320, s14;
	s13 =	sand.u32 $0xFE, s28;
	v4 =	vld.idx.msk [tilespmem:v5+s3+$0x0], $0xffff  }
.LBB2_3:
0x2b: {  	p0 =	sne.s32 s17, $0x15E0;
	v5 =	vadd.s32 s16, v1;
	_ =	sdelay $0x3  }
0x2c: {  	[tilespmem:s15+$0x100] =	vst v4  }
0x2d: {  	v4 =	vld.idx.msk [tilespmem:v5+s3+$0x0], $0xffff  }
0x2e: {  	s18 =	sadd.s32 $0x1, s16  }
0x2f: {  	v5 =	vadd.s32 s18, v1;
	_ =	sdelay $0x2  }
0x30: {  	s15 =	sadd.s32 $0x10, s15  }
0x31: {  	[tilespmem:s15+$0xFFFFFF00] =	vst v4  }
0x32: {  	v4 =	vld.idx.msk [tilespmem:v5+s3+$0x0], $0xffff  }
0x33: {  	s18 =	sadd.s32 $0x2, s16  }
0x34: {  	v5 =	vadd.s32 s18, v1;
	_ =	sdelay $0x3  }
0x35: {  	[tilespmem:s15+$0xFFFFFF80] =	vst v4  }
0x36: {  	v4 =	vld.idx.msk [tilespmem:v5+s3+$0x0], $0xffff  }
0x37: {  	s18 =	sadd.s32 $0x3, s16  }
0x38: {  	v5 =	vadd.s32 s18, v1;
	_ =	sdelay $0x3  }
0x39: {  	[tilespmem:s15+$0x0] =	vst v4  }
0x3a: {  	v4 =	vld.idx.msk [tilespmem:v5+s3+$0x0], $0xffff  }
0x3b: {  	s16 =	sadd.s32 $0x4, s16  }
0x3c: {  	v5 =	vadd.s32 s16, v1;
	_ =	sdelay $0x1  }
.Ltmp0:
0x3d: {  	(pc) =	sbr.rel @p0 .LBB2_3-.Ltmp0, $4  }
0x3e: {  	_ = 	snop  }
0x3f: {  	[tilespmem:s15+$0x80] =	vst v4  }
0x40: {  	v4 =	vld.idx.msk [tilespmem:v5+s3+$0x0], $0xffff  }
0x41: {  	s16 =	sadd.s32 s17, s14;
	s17 =	sadd.s32 $0x320, s17  }
0x42: {  	v5 =	vadd.s32 s16, v1;
	_ =	sdelay $0x3  }
0x43: {  	[tilespmem:s15+$0x100] =	vst v4  }
0x44: {  	s17 =	sadd.s32 $0x1, s16;
	v4 =	vld.idx.msk [tilespmem:v5+s3+$0x0], $0xffff  }
0x45: {  	v5 =	vadd.s32 s17, v1;
	_ =	sdelay $0x2  }
0x46: {  	s18 =	sadd.s32 $0x10, s15  }
0x47: {  	[tilespmem:s18+$0xFFFFFF00] =	vst v4  }
0x48: {  	s19 =	sadd.s32 $0x2, s16;
	v4 =	vld.idx.msk [tilespmem:v5+s3+$0x0], $0xffff  }
0x49: {  	v5 =	vadd.s32 s19, v1;
	_ =	sdelay $0x3  }
0x4a: {  	[tilespmem:s18+$0xFFFFFF80] =	vst v4  }
0x4b: {  	s20 =	sadd.s32 $0x3, s16;
	v4 =	vld.idx.msk [tilespmem:v5+s3+$0x0], $0xffff  }
0x4c: {  	v5 =	vadd.s32 s20, v1;
	_ =	sdelay $0x3  }
0x4d: {  	[tilespmem:s18+$0x0] =	vst v4  }
0x4e: {  	s21 =	sadd.s32 $0x4, s16;
	v4 =	vld.idx.msk [tilespmem:v5+s3+$0x0], $0xffff  }
0x4f: {  	v5 =	vadd.s32 s21, v1;
	_ =	sdelay $0x3  }
0x50: {  	[tilespmem:s18+$0x80] =	vst v4  }
0x51: {  	v4 =	vld.idx.msk [tilespmem:v5+s3+$0x0], $0xffff;
	_ =	sdelay $0x4  }
0x52: {  	s22 =	simm.s32 $0x6400;
	s23 =	simm.s32 $0x6900;
	[tilespmem:s18+$0x100] =	vst v4  }
0x53: {  	[tilespmem:s23], [sflag:$0x1] =	stream.indirect.gather [hbm4b:s4+s9], $0x20, s22, s9, $0xb8;
	[tilespmem:$0x15E00] =	vst v63  }
0x54: {  	s24 =	simm.s32 $0x6480;
	s25 =	simm.s32 $0x7900;
	s16 =	sadd.s32 $0x0, s14  }
0x55: {  	[tilespmem:s25], [sflag:$0x1] =	stream.indirect.gather [hbm4b:s4+s9], $0x20, s24, s9, $0xb8;
	[tilespmem:$0x15E00] =	vst v63  }
0x56: {  	s28 =	simm.s32 $0x6500;
	s26 =	sadd.s32 $0x5, s16;
	s18 =	simm.s32 $0x8900  }
0x57: {  	v4 =	vadd.s32 s26, v1;
	[tilespmem:s18], [sflag:$0x1] =	stream.indirect.gather [hbm4b:s4+s9], $0x20, s28, s9, $0xb8;
	[tilespmem:$0x15E00] =	vst v63  }
0x58: {  	s19 =	simm.s32 $0x6580;
	s20 =	simm.s32 $0x9900  }
0x59: {  	[tilespmem:s20], [sflag:$0x1] =	stream.indirect.gather [hbm4b:s4+s9], $0x20, s19, s9, $0xb8;
	[tilespmem:$0x15E00] =	vst v63  }
0x5a: {  	s21 =	simm.s32 $0x6600;
	s22 =	simm.s32 $0xA900  }
0x5b: {  	[tilespmem:s22], [sflag:$0x1] =	stream.indirect.gather [hbm4b:s4+s9], $0x20, s21, s9, $0xb8;
	[tilespmem:$0x15E00] =	vst v63  }
0x5c: {  	s23 =	sadd.s32 $0x6, s16;
	v4 =	vld.idx.msk [tilespmem:v4+s3+$0x0], $0xffff  }
0x5d: {  	v5 =	vadd.s32 s23, v1;
	_ =	sdelay $0x2  }
0x5e: {  	s15 =	simm.s32 $0x6780  }
0x5f: {  	[tilespmem:s15+$0xFFFFFF00] =	vst v4  }
0x60: {  	s24 =	sadd.s32 $0x7, s16;
	v4 =	vld.idx.msk [tilespmem:v5+s3+$0x0], $0xffff  }
0x61: {  	v5 =	vadd.s32 s24, v1;
	_ =	sdelay $0x3  }
0x62: {  	[tilespmem:s15+$0xFFFFFF80] =	vst v4  }
0x63: {  	s25 =	sadd.s32 $0x8, s16;
	v4 =	vld.idx.msk [tilespmem:v5+s3+$0x0], $0xffff  }
0x64: {  	v5 =	vadd.s32 s25, v1;
	_ =	sdelay $0x3  }
0x65: {  	[tilespmem:s15+$0x0] =	vst v4  }
0x66: {  	s11 =	sor.u32 $0x1, s11;
	s16 =	sadd.s32 $0x9, s16;
	v4 =	vld.idx.msk [tilespmem:v5+s3+$0x0], $0xffff  }
0x67: {  	s26 =	smulhi.u32 $0x66666667, s11;
	v5 =	vadd.s32 s16, v1;
	_ =	sdelay $0x1  }
0x68: {  	s28 =	sshrl.u32 s26, $0x2  }
0x69: {  	s16 =	smul.u32 $0xA, s28  }
0x6a: {  	[tilespmem:s15+$0x80] =	vst v4  }
0x6b: {  	s17 =	simm.s32 $0x640;
	s11 =	ssub.s32 s11, s16;
	s16 =	sadd.s32 $0x320, s14;
	v4 =	vld.idx.msk [tilespmem:v5+s3+$0x0], $0xffff  }
.LBB2_5:
0x6c: {  	p0 =	sne.s32 s17, $0x15E0;
	s18 =	sadd.s32 $0x5, s16  }
0x6d: {  	v5 =	vadd.s32 s18, v1;
	_ =	sdelay $0x3  }
0x6e: {  	[tilespmem:s15+$0x100] =	vst v4  }
0x6f: {  	v4 =	vld.idx.msk [tilespmem:v5+s3+$0x0], $0xffff  }
0x70: {  	s18 =	sadd.s32 $0x6, s16  }
0x71: {  	v5 =	vadd.s32 s18, v1;
	_ =	sdelay $0x2  }
0x72: {  	s15 =	sadd.s32 $0x10, s15  }
0x73: {  	[tilespmem:s15+$0xFFFFFF00] =	vst v4  }
0x74: {  	v4 =	vld.idx.msk [tilespmem:v5+s3+$0x0], $0xffff  }
0x75: {  	s18 =	sadd.s32 $0x7, s16  }
0x76: {  	v5 =	vadd.s32 s18, v1;
	_ =	sdelay $0x3  }
0x77: {  	[tilespmem:s15+$0xFFFFFF80] =	vst v4  }
0x78: {  	v4 =	vld.idx.msk [tilespmem:v5+s3+$0x0], $0xffff  }
0x79: {  	s18 =	sadd.s32 $0x8, s16  }
0x7a: {  	v5 =	vadd.s32 s18, v1;
	_ =	sdelay $0x3  }
0x7b: {  	[tilespmem:s15+$0x0] =	vst v4  }
0x7c: {  	v4 =	vld.idx.msk [tilespmem:v5+s3+$0x0], $0xffff  }
0x7d: {  	s16 =	sadd.s32 $0x9, s16  }
0x7e: {  	v5 =	vadd.s32 s16, v1  }
.Ltmp1:
0x7f: {  	(pc) =	sbr.rel @p0 .LBB2_5-.Ltmp1, $3  }
0x80: {  	_ =	sdelay $0x1  }
0x81: {  	[tilespmem:s15+$0x80] =	vst v4  }
0x82: {  	s16 =	sadd.s32 s17, s14;
	s17 =	sadd.s32 $0x320, s17;
	v4 =	vld.idx.msk [tilespmem:v5+s3+$0x0], $0xffff  }
0x83: {  	s14 =	sadd.s32 $0x5, s16  }
0x84: {  	v5 =	vadd.s32 s14, v1;
	_ =	sdelay $0x3  }
0x85: {  	[tilespmem:s15+$0x100] =	vst v4  }
0x86: {  	s21 =	sadd.s32 $0x6, s16;
	v4 =	vld.idx.msk [tilespmem:v5+s3+$0x0], $0xffff  }
0x87: {  	v5 =	vadd.s32 s21, v1;
	_ =	sdelay $0x2  }
0x88: {  	s22 =	sadd.s32 $0x10, s15  }
0x89: {  	[tilespmem:s22+$0xFFFFFF00] =	vst v4  }
0x8a: {  	s23 =	sadd.s32 $0x7, s16;
	v4 =	vld.idx.msk [tilespmem:v5+s3+$0x0], $0xffff  }
0x8b: {  	v5 =	vadd.s32 s23, v1;
	_ =	sdelay $0x3  }
0x8c: {  	[tilespmem:s22+$0xFFFFFF80] =	vst v4  }
0x8d: {  	s24 =	sadd.s32 $0x8, s16;
	v4 =	vld.idx.msk [tilespmem:v5+s3+$0x0], $0xffff  }
0x8e: {  	v5 =	vadd.s32 s24, v1;
	_ =	sdelay $0x3  }
0x8f: {  	[tilespmem:s22+$0x0] =	vst v4  }
0x90: {  	s25 =	sadd.s32 $0x9, s16;
	v4 =	vld.idx.msk [tilespmem:v5+s3+$0x0], $0xffff  }
0x91: {  	v5 =	vadd.s32 s25, v1;
	_ =	sdelay $0x3  }
0x92: {  	[tilespmem:s22+$0x80] =	vst v4  }
0x93: {  	v4 =	vld.idx.msk [tilespmem:v5+s3+$0x0], $0xffff;
	_ =	sdelay $0x4  }
0x94: {  	s26 =	simm.s32 $0x6680;
	s28 =	simm.s32 $0xB900;
	[tilespmem:s22+$0x100] =	vst v4  }
0x95: {  	[tilespmem:s28], [sflag:$0x2] =	stream.indirect.gather [hbm4b:s4+s9], $0x20, s26, s9, $0xb8;
	[tilespmem:$0x15E00] =	vst v63  }
0x96: {  	s16 =	simm.s32 $0x6700;
	s17 =	simm.s32 $0xC900  }
0x97: {  	[tilespmem:s17], [sflag:$0x2] =	stream.indirect.gather [hbm4b:s4+s9], $0x20, s16, s9, $0xb8;
	[tilespmem:$0x15E00] =	vst v63  }
0x98: {  	s18 =	simm.s32 $0x6780;
	s19 =	simm.s32 $0xD900  }
0x99: {  	[tilespmem:s19], [sflag:$0x2] =	stream.indirect.gather [hbm4b:s4+s9], $0x20, s18, s9, $0xb8;
	[tilespmem:$0x15E00] =	vst v63  }
0x9a: {  	s20 =	simm.s32 $0x6800;
	s21 =	simm.s32 $0xE900  }
0x9b: {  	[tilespmem:s21], [sflag:$0x2] =	stream.indirect.gather [hbm4b:s4+s9], $0x20, s20, s9, $0xb8;
	[tilespmem:$0x15E00] =	vst v63  }
0x9c: {  	_ = 	snop  }
0x9d: {  	[tilespmem:s30], [sflag:$0x2] =	stream.indirect.gather [hbm4b:s4+s9], $0x20, s29, s9, $0xb8;
	[tilespmem:$0x15E00] =	vst v63  }
0x9e: {  	_ =	swait.ge [sflag:s31], $0x1000  }
0x9f: {  	[sflag:s31] =	ssyncset.done $0x0  }
0xa0: {  	[sflag:s31] =	ssyncadd.s32 $0xFFFFF000  }
0xa1: {  	_ =	swait.ge [sflag:s31], $0x1000  }
0xa2: {  	[sflag:s31] =	ssyncset.done $0x0  }
0xa3: {  	[sflag:s31] =	ssyncadd.s32 $0xFFFFF000  }
0xa4: {  	_ =	swait.ge [sflag:s31], $0x1000  }
0xa5: {  	[sflag:s31] =	ssyncset.done $0x0  }
0xa6: {  	[sflag:s31] =	ssyncadd.s32 $0xFFFFF000  }
0xa7: {  	_ =	swait.ge [sflag:s31], $0x1000  }
0xa8: {  	[sflag:s31] =	ssyncset.done $0x0  }
0xa9: {  	s23 =	simm.s32 $0x0;
	s22 =	simm.s32 $0x0;
	[sflag:s31] =	ssyncadd.s32 $0xFFFFF000  }
0xaa: {  	v4 =	vmov s23;
	s15 =	sand.u32 $0x78, s22;
	_ =	swait.ge [sflag:s31], $0x1000  }
0xab: {  	p0 =	seq.s32 s10, $0x0;
	v4 =	vmul.u32 $0x1100, v4;
	v5 =	vmov s15;
	[sflag:s31] =	ssyncset.done $0x0  }
0xac: {  	s14 =	simm.s32 $0x0;
	s16 =	simm.s32 @!p0 $0x4;
	v5 =	vshrl.u32 v5, $0x3;
	[sflag:s31] =	ssyncadd.s32 $0xFFFFF000  }
0xad: {  	s17 =	sor.u32 s15, s14;
	v4 =	vbroadcast v4, $0x0;
	v5 =	vshll.u32 v5, v2;
	_ =	swait.ge @!p0 [sflag:s16], $0x5000  }
0xae: {  	s17 =	sshll.u32 s17, $0x5;
	v5 =	vbroadcast v5, $0x0;
	[sflag:s16] =	ssyncset.done @!p0 $0x0  }
0xaf: {  	s24 =	sand.u32 $0x3FFFFF00, s17;
	v6 =	vadd.s32 v0, v4;
	[sflag:s16] =	ssyncadd.s32 @!p0 $0xFFFFB000  }
0xb0: {  	s25 =	sor.u32 $0x1, s15;
	v4 =	vadd.s32 v3, v4;
	v8 =	vadd.s32 v6, v5;
	v7 =	vld [tilespmem:s24+$0x6900]  }
0xb1: {  	v9 =	vmov s25;
	v5 =	vadd.s32 v4, v5;
	v10 =	vld [tilespmem:s24+$0x6910]  }
0xb2: {  	v9 =	vshrl.u32 v9, $0x3  }
0xb3: {  	v9 =	vshll.u32 v9, v2  }
0xb4: {  	s26 =	sor.u32 s14, s25;
	v9 =	vbroadcast v9, $0x0  }
0xb5: {  	s16 =	sshll.u32 s26, $0x5;
	[tilespmem:v8+s1+$0x0] =	vst.idx.msk $0xffff, v7  }
0xb6: {  	s16 =	sand.u32 $0x3FFFFF20, s16;
	v7 =	vadd.s32 v6, v9;
	[tilespmem:v5+s1+$0x0] =	vst.idx.msk $0xffff, v10  }
0xb7: {  	s28 =	sor.u32 $0x2, s15;
	v5 =	vadd.s32 v4, v9;
	v7 =	vor.u32 $0x1, v7;
	v8 =	vld [tilespmem:s16+$0x6900]  }
0xb8: {  	v9 =	vmov s28;
	v10 =	vld [tilespmem:s16+$0x6910];
	v5 =	vor.u32 $0x1, v5  }
0xb9: {  	v9 =	vshrl.u32 v9, $0x3  }
0xba: {  	v9 =	vshll.u32 v9, v2  }
0xbb: {  	s17 =	sor.u32 s14, s28;
	v9 =	vbroadcast v9, $0x0  }
0xbc: {  	s16 =	sshll.u32 s17, $0x5;
	[tilespmem:v7+s1+$0x0] =	vst.idx.msk $0xffff, v8  }
0xbd: {  	s16 =	sand.u32 $0x3FFFFF40, s16;
	v7 =	vadd.s32 v6, v9;
	[tilespmem:v5+s1+$0x0] =	vst.idx.msk $0xffff, v10  }
0xbe: {  	s18 =	sor.u32 $0x3, s15;
	v5 =	vadd.s32 v4, v9;
	v7 =	vor.u32 $0x2, v7;
	v8 =	vld [tilespmem:s16+$0x6900]  }
0xbf: {  	v10 =	vmov s18;
	v9 =	vld [tilespmem:s16+$0x6910];
	v5 =	vor.u32 $0x2, v5  }
0xc0: {  	v10 =	vshrl.u32 v10, $0x3  }
0xc1: {  	v10 =	vshll.u32 v10, v2  }
0xc2: {  	s19 =	sor.u32 s14, s18;
	v10 =	vbroadcast v10, $0x0  }
0xc3: {  	s16 =	sshll.u32 s19, $0x5;
	[tilespmem:v7+s1+$0x0] =	vst.idx.msk $0xffff, v8  }
0xc4: {  	s16 =	sand.u32 $0x3FFFFF60, s16;
	[tilespmem:v5+s1+$0x0] =	vst.idx.msk $0xffff, v9;
	v5 =	vadd.s32 v6, v10  }
0xc5: {  	s20 =	sor.u32 $0x4, s15;
	v7 =	vadd.s32 v4, v10;
	v8 =	vld [tilespmem:s16+$0x6900];
	v5 =	vor.u32 $0x3, v5  }
0xc6: {  	v9 =	vmov s20;
	v7 =	vor.u32 $0x3, v7;
	v10 =	vld [tilespmem:s16+$0x6910]  }
0xc7: {  	v9 =	vshrl.u32 v9, $0x3  }
0xc8: {  	v9 =	vshll.u32 v9, v2  }
0xc9: {  	s21 =	sor.u32 s14, s20;
	v9 =	vbroadcast v9, $0x0  }
0xca: {  	s16 =	sshll.u32 s21, $0x5;
	[tilespmem:v5+s1+$0x0] =	vst.idx.msk $0xffff, v8  }
0xcb: {  	s16 =	sand.u32 $0x3FFFFF80, s16;
	v5 =	vadd.s32 v6, v9;
	[tilespmem:v7+s1+$0x0] =	vst.idx.msk $0xffff, v10  }
0xcc: {  	s22 =	sor.u32 $0x5, s15;
	v7 =	vadd.s32 v4, v9;
	v5 =	vor.u32 $0x4, v5;
	v8 =	vld [tilespmem:s16+$0x6900]  }
0xcd: {  	v9 =	vmov s22;
	v10 =	vld [tilespmem:s16+$0x6910];
	v7 =	vor.u32 $0x4, v7  }
0xce: {  	v9 =	vshrl.u32 v9, $0x3  }
0xcf: {  	v9 =	vshll.u32 v9, v2  }
0xd0: {  	s23 =	sor.u32 s14, s22;
	v9 =	vbroadcast v9, $0x0  }
0xd1: {  	s16 =	sshll.u32 s23, $0x5;
	[tilespmem:v5+s1+$0x0] =	vst.idx.msk $0xffff, v8  }
0xd2: {  	s16 =	sand.u32 $0x3FFFFFA0, s16;
	v5 =	vadd.s32 v6, v9;
	[tilespmem:v7+s1+$0x0] =	vst.idx.msk $0xffff, v10  }
0xd3: {  	s24 =	sor.u32 $0x6, s15;
	v7 =	vadd.s32 v4, v9;
	v5 =	vor.u32 $0x5, v5;
	v8 =	vld [tilespmem:s16+$0x6900]  }
0xd4: {  	v9 =	vmov s24;
	v10 =	vld [tilespmem:s16+$0x6910];
	v7 =	vor.u32 $0x5, v7  }
0xd5: {  	v9 =	vshrl.u32 v9, $0x3  }
0xd6: {  	v9 =	vshll.u32 v9, v2  }
0xd7: {  	s25 =	sor.u32 s14, s24;
	v9 =	vbroadcast v9, $0x0  }
0xd8: {  	s16 =	sshll.u32 s25, $0x5;
	[tilespmem:v5+s1+$0x0] =	vst.idx.msk $0xffff, v8  }
0xd9: {  	s16 =	sand.u32 $0x3FFFFFC0, s16;
	v5 =	vadd.s32 v6, v9;
	[tilespmem:v7+s1+$0x0] =	vst.idx.msk $0xffff, v10  }
0xda: {  	s15 =	sor.u32 $0x7, s15;
	v7 =	vadd.s32 v4, v9;
	v5 =	vor.u32 $0x6, v5;
	v8 =	vld [tilespmem:s16+$0x6900]  }
0xdb: {  	v9 =	vmov s15;
	v10 =	vld [tilespmem:s16+$0x6910];
	v7 =	vor.u32 $0x6, v7  }
0xdc: {  	v9 =	vshrl.u32 v9, $0x3  }
0xdd: {  	v9 =	vshll.u32 v9, v2  }
0xde: {  	s14 =	sor.u32 s14, s15;
	v9 =	vbroadcast v9, $0x0  }
0xdf: {  	s14 =	sshll.u32 s14, $0x5;
	[tilespmem:v5+s1+$0x0] =	vst.idx.msk $0xffff, v8  }
0xe0: {  	s18 =	sand.u32 $0x3FFFFFE0, s14;
	s15 =	simm.s32 $0x8;
	v5 =	vadd.s32 v6, v9;
	[tilespmem:v7+s1+$0x0] =	vst.idx.msk $0xffff, v10  }
0xe1: {  	s23 =	sand.u32 $0x78, s15;
	v4 =	vadd.s32 v4, v9;
	v12 =	vor.u32 $0x7, v5;
	v11 =	vld [tilespmem:s18+$0x6900]  }
0xe2: {  	s26 =	simm.s32 $0x0;
	s19 =	sor.u32 $0x1, s23;
	v6 =	vor.u32 $0x7, v4  }
0xe3: {  	s14 =	simm.s32 $0x0;
	s16 =	simm.s32 $0x2;
	s17 =	sor.u32 $0x6, s23;
	v4 =	vmov s26;
	v9 =	vmov s19;
	v5 =	vmov s23;
	v7 =	vld [tilespmem:s18+$0x6910]  }
0xe4: {  	s21 =	sor.u32 s23, s14;
	s20 =	sor.u32 $0x5, s23;
	s22 =	sor.u32 s14, s19;
	v4 =	vmul.u32 $0x1100, v4;
	v10 =	vshrl.u32 v9, $0x3;
	v5 =	vshrl.u32 v5, $0x3  }
0xe5: {  	s28 =	sshll.u32 s21, $0x5;
	s24 =	sshll.u32 s22, $0x5;
	s22 =	sor.u32 $0x4, s23;
	v10 =	vshll.u32 v10, v2;
	v8 =	vshll.u32 v5, v2  }
0xe6: {  	s26 =	sand.u32 $0x3FFFFF00, s28;
	s19 =	sor.u32 $0x3, s23;
	s18 =	sor.u32 $0x7, s23;
	v5 =	vmov s20;
	v9 =	vbroadcast v4, $0x0;
	v4 =	vmov s17;
	[tilespmem:v12+s1+$0x0] =	vst.idx.msk $0xffff, v11  }
.LBB2_7:
0xe7: {  	s20 =	sor.u32 s14, s20  }
0xe8: {  	v8 =	vbroadcast v8, $0x0;
	v10 =	vbroadcast v10, $0x0;
	v5 =	vshrl.u32 v5, $0x3;
	s25 =	sor.u32 s14, s17;
	s28 =	sor.u32 s14, s18;
	[tilespmem:v6+s1+$0x0] =	vst.idx.msk $0xffff, v7;
	s17 =	smov.u32 s16  }
0xe9: {  	v6 =	vadd.s32 v0, v9;
	v7 =	vadd.s32 v3, v9;
	s21 =	sshll.u32 s20, $0x5;
	s20 =	sshll.u32 s25, $0x5;
	v9 =	vmov s18;
	s18 =	sshll.u32 s28, $0x5  }
0xea: {  	v4 =	vshrl.u32 v4, $0x3;
	s25 =	sadd.s32 $0x1, s16;
	s28 =	sor.u32 $0x2, s23;
	s23 =	sor.u32 s14, s22;
	v11 =	vld [tilespmem:s26+$0x6900];
	v12 =	vadd.s32 v6, v8;
	v13 =	vadd.s32 v6, v10  }
0xeb: {  	p0 =	sne.s32 s16, $0x4F;
	v5 =	vshll.u32 v5, v2;
	v8 =	vadd.s32 v7, v8;
	v10 =	vadd.s32 v7, v10;
	s16 =	sor.u32 s14, s28;
	s23 =	sshll.u32 s23, $0x5;
	v14 =	vld [tilespmem:s26+$0x6910]  }
0xec: {  	v16 =	vmov s22;
	v15 =	vmov s28;
	v5 =	vbroadcast v5, $0x0;
	s16 =	sshll.u32 s16, $0x5  }
0xed: {  	v16 =	vshrl.u32 v16, $0x3;
	v4 =	vshll.u32 v4, v2;
	v15 =	vshrl.u32 v15, $0x3  }
0xee: {  	v16 =	vshll.u32 v16, v2;
	v15 =	vshll.u32 v15, v2;
	v17 =	vadd.s32 v6, v5  }
0xef: {  	v5 =	vadd.s32 v7, v5;
	[tilespmem:v12+s1+$0x0] =	vst.idx.msk $0xffff, v11;
	v11 =	vbroadcast v15, $0x0;
	v12 =	vbroadcast v16, $0x0  }
0xf0: {  	s22 =	sand.u32 $0x3FFFFF20, s24;
	v4 =	vbroadcast v4, $0x0;
	[tilespmem:v8+s1+$0x0] =	vst.idx.msk $0xffff, v14;
	v8 =	vshrl.u32 v9, $0x3  }
0xf1: {  	v13 =	vor.u32 $0x1, v13;
	v9 =	vld [tilespmem:s22+$0x6900];
	v14 =	vadd.s32 v6, v11;
	v11 =	vadd.s32 v7, v11  }
0xf2: {  	v10 =	vor.u32 $0x1, v10;
	v16 =	vadd.s32 v6, v12;
	v12 =	vadd.s32 v7, v12;
	v15 =	vld [tilespmem:s22+$0x6910]  }
0xf3: {  	v18 =	vadd.s32 v6, v4;
	v4 =	vadd.s32 v7, v4;
	v8 =	vshll.u32 v8, v2  }
0xf4: {  	v8 =	vbroadcast v8, $0x0;
	_ =	sdelay $0x1  }
0xf5: {  	[tilespmem:v13+s1+$0x0] =	vst.idx.msk $0xffff, v9;
	v9 =	vadd.s32 v6, v8;
	v8 =	vadd.s32 v7, v8  }
0xf6: {  	s16 =	sand.u32 $0x3FFFFF40, s16;
	[tilespmem:v10+s1+$0x0] =	vst.idx.msk $0xffff, v15  }
0xf7: {  	v13 =	vor.u32 $0x2, v14;
	v10 =	vld [tilespmem:s16+$0x6900]  }
0xf8: {  	v11 =	vor.u32 $0x2, v11;
	v15 =	vmov s19;
	v14 =	vld [tilespmem:s16+$0x6910]  }
0xf9: {  	v15 =	vshrl.u32 v15, $0x3  }
0xfa: {  	v15 =	vshll.u32 v15, v2  }
0xfb: {  	s14 =	sor.u32 s14, s19;
	v15 =	vbroadcast v15, $0x0  }
0xfc: {  	s14 =	sshll.u32 s14, $0x5;
	[tilespmem:v13+s1+$0x0] =	vst.idx.msk $0xffff, v10  }
0xfd: {  	s14 =	sand.u32 $0x3FFFFF60, s14;
	v6 =	vadd.s32 v6, v15;
	v7 =	vadd.s32 v7, v15;
	[tilespmem:v11+s1+$0x0] =	vst.idx.msk $0xffff, v14  }
0xfe: {  	v6 =	vor.u32 $0x3, v6;
	v10 =	vld [tilespmem:s14+$0x6900]  }
0xff: {  	v7 =	vor.u32 $0x3, v7;
	v11 =	vld [tilespmem:s14+$0x6910];
	_ =	sdelay $0x3  }
0x100: {  	[tilespmem:v6+s1+$0x0] =	vst.idx.msk $0xffff, v10  }
0x101: {  	s14 =	sand.u32 $0x3FFFFF80, s23;
	[tilespmem:v7+s1+$0x0] =	vst.idx.msk $0xffff, v11  }
0x102: {  	v7 =	vor.u32 $0x4, v16;
	v6 =	vld [tilespmem:s14+$0x6900]  }
0x103: {  	v11 =	vor.u32 $0x4, v12;
	v10 =	vld [tilespmem:s14+$0x6910];
	_ =	sdelay $0x3  }
0x104: {  	[tilespmem:v7+s1+$0x0] =	vst.idx.msk $0xffff, v6  }
0x105: {  	s14 =	sand.u32 $0x3FFFFFA0, s21;
	[tilespmem:v11+s1+$0x0] =	vst.idx.msk $0xffff, v10  }
0x106: {  	v7 =	vor.u32 $0x5, v17;
	v6 =	vld [tilespmem:s14+$0x6900]  }
0x107: {  	v5 =	vor.u32 $0x5, v5;
	v10 =	vld [tilespmem:s14+$0x6910];
	_ =	sdelay $0x3  }
0x108: {  	[tilespmem:v7+s1+$0x0] =	vst.idx.msk $0xffff, v6  }
0x109: {  	s14 =	sand.u32 $0x3FFFFFC0, s20;
	[tilespmem:v5+s1+$0x0] =	vst.idx.msk $0xffff, v10  }
0x10a: {  	v6 =	vor.u32 $0x6, v18;
	v5 =	vld [tilespmem:s14+$0x6900]  }
0x10b: {  	v4 =	vor.u32 $0x6, v4;
	v7 =	vld [tilespmem:s14+$0x6910];
	_ =	sdelay $0x3  }
0x10c: {  	[tilespmem:v6+s1+$0x0] =	vst.idx.msk $0xffff, v5  }
0x10d: {  	s15 =	sadd.s32 $0x8, s15;
	s14 =	sand.u32 $0x3FFFFFE0, s18;
	[tilespmem:v4+s1+$0x0] =	vst.idx.msk $0xffff, v7  }
0x10e: {  	s23 =	sand.u32 $0x78, s15;
	v12 =	vor.u32 $0x7, v9;
	v11 =	vld [tilespmem:s14+$0x6900]  }
.Ltmp2:
0x10f: {  	s16 =	sshrl.u32 s17, $0x4;
	s17 =	sor.u32 $0x6, s23;
	v6 =	vor.u32 $0x7, v8;
	v7 =	vld [tilespmem:s14+$0x6910];
	(pc) =	sbr.rel @p0 .LBB2_7-.Ltmp2, $4  }
0x110: {  	s22 =	sor.u32 $0x4, s23;
	v5 =	vmov s23;
	v4 =	vmov s16;
	s14 =	sshll.u32 s16, $0x7;
	s16 =	sor.u32 $0x1, s23  }
0x111: {  	s20 =	sor.u32 $0x5, s23;
	v5 =	vshrl.u32 v5, $0x3;
	v4 =	vmul.u32 $0x1100, v4;
	s18 =	sor.u32 s23, s14;
	s19 =	sor.u32 s14, s16;
	v9 =	vmov s16  }
0x112: {  	v8 =	vshll.u32 v5, v2;
	v5 =	vmov s20;
	s16 =	sshll.u32 s18, $0x5;
	s24 =	sshll.u32 s19, $0x5;
	v10 =	vshrl.u32 v9, $0x3;
	s19 =	sor.u32 $0x3, s23  }
0x113: {  	v9 =	vbroadcast v4, $0x0;
	v4 =	vmov s17;
	s18 =	sor.u32 $0x7, s23;
	s26 =	sand.u32 $0x3FFFFF00, s16;
	v10 =	vshll.u32 v10, v2;
	s16 =	smov.u32 s25;
	[tilespmem:v12+s1+$0x0] =	vst.idx.msk $0xffff, v11  }
0x114: {  	_ =	sdelay $0x2  }
0x115: {  	v8 =	vbroadcast v8, $0x0  }
0x116: {  	[tilespmem:v6+s1+$0x0] =	vst.idx.msk $0xffff, v7;
	v41 =	vadd.s32 v0, v9  }
0x117: {  	v42 =	vadd.s32 v3, v9;
	v43 =	vld [tilespmem:s26+$0x6900];
	v11 =	vadd.s32 v41, v8  }
0x118: {  	v12 =	vld [tilespmem:s26+$0x6910];
	v8 =	vadd.s32 v42, v8;
	_ =	sdelay $0x2  }
0x119: {  	v10 =	vbroadcast v10, $0x0  }
0x11a: {  	[tilespmem:v11+s1+$0x0] =	vst.idx.msk $0xffff, v43  }
0x11b: {  	s15 =	sand.u32 $0x3FFFFF20, s24;
	v44 =	vadd.s32 v41, v10;
	[tilespmem:v8+s1+$0x0] =	vst.idx.msk $0xffff, v12  }
0x11c: {  	s16 =	sor.u32 $0x2, s23;
	v45 =	vadd.s32 v42, v10;
	v9 =	vor.u32 $0x1, v44;
	v46 =	vld [tilespmem:s15+$0x6900]  }
0x11d: {  	v47 =	vmov s16;
	v8 =	vor.u32 $0x1, v45;
	v12 =	vld [tilespmem:s15+$0x6910]  }
0x11e: {  	v11 =	vshrl.u32 v47, $0x3  }
0x11f: {  	v11 =	vshll.u32 v11, v2  }
0x120: {  	s21 =	sor.u32 s14, s16;
	v11 =	vbroadcast v11, $0x0  }
0x121: {  	s15 =	sshll.u32 s21, $0x5;
	[tilespmem:v9+s1+$0x0] =	vst.idx.msk $0xffff, v46  }
0x122: {  	s15 =	sand.u32 $0x3FFFFF40, s15;
	v48 =	vadd.s32 v41, v11;
	[tilespmem:v8+s1+$0x0] =	vst.idx.msk $0xffff, v12  }
0x123: {  	v49 =	vadd.s32 v42, v11;
	v9 =	vor.u32 $0x2, v48;
	v10 =	vld [tilespmem:s15+$0x6900]  }
0x124: {  	v51 =	vmov s19;
	v8 =	vor.u32 $0x2, v49;
	v50 =	vld [tilespmem:s15+$0x6910]  }
0x125: {  	v12 =	vshrl.u32 v51, $0x3  }
0x126: {  	v12 =	vshll.u32 v12, v2  }
0x127: {  	s23 =	sor.u32 s14, s19;
	v12 =	vbroadcast v12, $0x0  }
0x128: {  	s15 =	sshll.u32 s23, $0x5;
	[tilespmem:v9+s1+$0x0] =	vst.idx.msk $0xffff, v10  }
0x129: {  	s15 =	sand.u32 $0x3FFFFF60, s15;
	v52 =	vadd.s32 v41, v12;
	[tilespmem:v8+s1+$0x0] =	vst.idx.msk $0xffff, v50  }
0x12a: {  	v53 =	vadd.s32 v42, v12;
	v8 =	vor.u32 $0x3, v52;
	v10 =	vld [tilespmem:s15+$0x6900]  }
0x12b: {  	v54 =	vmov s22;
	v9 =	vor.u32 $0x3, v53;
	v55 =	vld [tilespmem:s15+$0x6910]  }
0x12c: {  	v11 =	vshrl.u32 v54, $0x3  }
0x12d: {  	v11 =	vshll.u32 v11, v2  }
0x12e: {  	s24 =	sor.u32 s14, s22;
	v11 =	vbroadcast v11, $0x0  }
0x12f: {  	s15 =	sshll.u32 s24, $0x5;
	[tilespmem:v8+s1+$0x0] =	vst.idx.msk $0xffff, v10  }
0x130: {  	v56 =	vadd.s32 v41, v11;
	s15 =	sand.u32 $0x3FFFFF80, s15;
	[tilespmem:v9+s1+$0x0] =	vst.idx.msk $0xffff, v55  }
0x131: {  	v57 =	vadd.s32 v42, v11;
	v8 =	vor.u32 $0x4, v56;
	v10 =	vld [tilespmem:s15+$0x6900]  }
0x132: {  	v9 =	vor.u32 $0x4, v57;
	v58 =	vld [tilespmem:s15+$0x6910]  }
0x133: {  	v5 =	vshrl.u32 v5, $0x3  }
0x134: {  	v5 =	vshll.u32 v5, v2  }
0x135: {  	s25 =	sor.u32 s14, s20;
	v5 =	vbroadcast v5, $0x0  }
0x136: {  	s15 =	sshll.u32 s25, $0x5;
	[tilespmem:v8+s1+$0x0] =	vst.idx.msk $0xffff, v10  }
0x137: {  	v59 =	vadd.s32 v41, v5;
	s15 =	sand.u32 $0x3FFFFFA0, s15;
	[tilespmem:v9+s1+$0x0] =	vst.idx.msk $0xffff, v58  }
0x138: {  	v5 =	vadd.s32 v42, v5;
	v8 =	vor.u32 $0x5, v59;
	v9 =	vld [tilespmem:s15+$0x6900]  }
0x139: {  	v5 =	vor.u32 $0x5, v5;
	v10 =	vld [tilespmem:s15+$0x6910]  }
0x13a: {  	v4 =	vshrl.u32 v4, $0x3  }
0x13b: {  	v4 =	vshll.u32 v4, v2  }
0x13c: {  	s26 =	sor.u32 s14, s17;
	v4 =	vbroadcast v4, $0x0  }
0x13d: {  	s15 =	sshll.u32 s26, $0x5;
	[tilespmem:v8+s1+$0x0] =	vst.idx.msk $0xffff, v9  }
0x13e: {  	v60 =	vadd.s32 v41, v4;
	s15 =	sand.u32 $0x3FFFFFC0, s15;
	[tilespmem:v5+s1+$0x0] =	vst.idx.msk $0xffff, v10  }
0x13f: {  	v4 =	vadd.s32 v42, v4;
	v8 =	vor.u32 $0x6, v60;
	v5 =	vld [tilespmem:s15+$0x6900]  }
0x140: {  	v61 =	vmov s18;
	v4 =	vor.u32 $0x6, v4;
	v10 =	vld [tilespmem:s15+$0x6910]  }
0x141: {  	v9 =	vshrl.u32 v61, $0x3  }
0x142: {  	v9 =	vshll.u32 v9, v2  }
0x143: {  	s28 =	sor.u32 s14, s18;
	v9 =	vbroadcast v9, $0x0  }
0x144: {  	s14 =	sshll.u32 s28, $0x5;
	[tilespmem:v8+s1+$0x0] =	vst.idx.msk $0xffff, v5  }
0x145: {  	s14 =	sand.u32 $0x3FFFFFE0, s14;
	v5 =	vadd.s32 v41, v9;
	[tilespmem:v4+s1+$0x0] =	vst.idx.msk $0xffff, v10  }
0x146: {  	v4 =	vadd.s32 v42, v9;
	v5 =	vor.u32 $0x7, v5;
	v62 =	vld [tilespmem:s14+$0x6900]  }
0x147: {  	v63 =	vld [tilespmem:s14+$0x6910];
	v4 =	vor.u32 $0x7, v4  }
0x148: {  	s13 =	smul.u32 $0x280000, s13;
	s12 =	sshll.u32 s12, $0xA  }
0x149: {  	s12 =	sadd.s32 s6, s12  }
0x14a: {  	s13 =	sor.u32 s12, s13  }
0x14b: {  	s13 =	sshrl.u32 s13, $0x3;
	[tilespmem:v5+s1+$0x0] =	vst.idx.msk $0xffff, v62  }
0x14c: {  	s15 =	simm.s32 $0x10900;
	s14 =	sadd.s32 s2, s13;
	[tilespmem:v4+s1+$0x0] =	vst.idx.msk $0xffff, v63  }
0x14d: {  	[hbm4b:s14+s3] =	stream.linear.scatter [tilespmem:s15], [sflag:$0x3], $0x80, $0x38;
	[tilespmem:$0x15E00] =	vst v63  }
0x14e: {  	s16 =	simm.s32 $0x10988;
	s17 =	sadd.s32 $0x10, s14  }
0x14f: {  	[hbm4b:s17+s3] =	stream.linear.scatter [tilespmem:s16], [sflag:$0x3], $0x80, $0x38;
	[tilespmem:$0x15E00] =	vst v63  }
0x150: {  	s18 =	simm.s32 $0x10A10;
	s20 =	simm.s32 $0x10A98;
	s19 =	sadd.s32 $0x20, s14  }
0x151: {  	[hbm4b:s19+s3] =	stream.linear.scatter [tilespmem:s18], [sflag:$0x3], $0x80, $0x38;
	[tilespmem:$0x15E00] =	vst v63  }
0x152: {  	s22 =	simm.s32 $0x10B20;
	s24 =	simm.s32 $0x10BA8;
	s21 =	sadd.s32 $0x30, s14  }
0x153: {  	[hbm4b:s21+s3] =	stream.linear.scatter [tilespmem:s20], [sflag:$0x3], $0x80, $0x38;
	[tilespmem:$0x15E00] =	vst v63  }
0x154: {  	s26 =	simm.s32 $0x10C30;
	s13 =	simm.s32 $0x440;
	s23 =	sadd.s32 $0x40, s14  }
0x155: {  	[hbm4b:s23+s3] =	stream.linear.scatter [tilespmem:s22], [sflag:$0x3], $0x80, $0x38;
	[tilespmem:$0x15E00] =	vst v63  }
0x156: {  	s25 =	sadd.s32 $0x50, s14;
	s28 =	sadd.s32 $0x60, s14;
	s15 =	simm.s32 $0x2200  }
0x157: {  	[hbm4b:s25+s3] =	stream.linear.scatter [tilespmem:s24], [sflag:$0x3], $0x80, $0x38;
	[tilespmem:$0x15E00] =	vst v63  }
0x158: {  	s16 =	simm.s32 $0x10CB8;
	s17 =	sadd.s32 $0x70, s14;
	s14 =	sadd.s32 $0x4000, s14  }
0x159: {  	[hbm4b:s28+s3] =	stream.linear.scatter [tilespmem:s26], [sflag:$0x3], $0x80, $0x38;
	[tilespmem:$0x15E00] =	vst v63  }
.LBB2_9:
0x15a: {  	[hbm4b:s17+s3] =	stream.linear.scatter [tilespmem:s16], [sflag:$0x3], $0x80, $0x38;
	[tilespmem:$0x15E00] =	vst v63  }
0x15b: {  	s16 =	smov.u32 s13;
	s13 =	smov.u32 s15  }
0x15c: {  	s18 =	sadd.s32 $0x1100, s15;
	s13 =	sshra.s32 s13, $0x2;
	s17 =	sadd.s32 $0x10900, s16  }
0x15d: {  	[hbm4b:s14+s3] =	stream.linear.scatter [tilespmem:s17], [sflag:$0x3], $0x80, $0x38;
	[tilespmem:$0x15E00] =	vst v63  }
0x15e: {  	p0 =	sne.s32 s15, $0x14300;
	s15 =	sadd.s32 $0x10988, s16;
	s17 =	sadd.s32 $0x10, s14  }
0x15f: {  	[hbm4b:s17+s3] =	stream.linear.scatter [tilespmem:s15], [sflag:$0x3], $0x80, $0x38;
	[tilespmem:$0x15E00] =	vst v63  }
0x160: {  	s15 =	sadd.s32 $0x10A10, s16;
	s17 =	sadd.s32 $0x20, s14  }
0x161: {  	[hbm4b:s17+s3] =	stream.linear.scatter [tilespmem:s15], [sflag:$0x3], $0x80, $0x38;
	[tilespmem:$0x15E00] =	vst v63  }
0x162: {  	s15 =	sadd.s32 $0x10A98, s16;
	s17 =	sadd.s32 $0x30, s14  }
0x163: {  	[hbm4b:s17+s3] =	stream.linear.scatter [tilespmem:s15], [sflag:$0x3], $0x80, $0x38;
	[tilespmem:$0x15E00] =	vst v63  }
0x164: {  	s15 =	sadd.s32 $0x10B20, s16;
	s17 =	sadd.s32 $0x40, s14  }
0x165: {  	[hbm4b:s17+s3] =	stream.linear.scatter [tilespmem:s15], [sflag:$0x3], $0x80, $0x38;
	[tilespmem:$0x15E00] =	vst v63  }
.Ltmp3:
0x166: {  	s15 =	sadd.s32 $0x10BA8, s16;
	s17 =	sadd.s32 $0x50, s14;
	(pc) =	sbr.rel @p0 .LBB2_9-.Ltmp3, $4  }
0x167: {  	[hbm4b:s17+s3] =	stream.linear.scatter [tilespmem:s15], [sflag:$0x3], $0x80, $0x38;
	[tilespmem:$0x15E00] =	vst v63  }
0x168: {  	s15 =	sadd.s32 $0x10C30, s16;
	s17 =	sadd.s32 $0x60, s14;
	s16 =	sadd.s32 $0x10CB8, s16  }
0x169: {  	[hbm4b:s17+s3] =	stream.linear.scatter [tilespmem:s15], [sflag:$0x3], $0x80, $0x38;
	[tilespmem:$0x15E00] =	vst v63  }
0x16a: {  	s17 =	sadd.s32 $0x70, s14;
	s14 =	sadd.s32 $0x4000, s14;
	s15 =	smov.u32 s18  }
0x16b: {  	[hbm4b:s17+s3] =	stream.linear.scatter [tilespmem:s16], [sflag:$0x3], $0x80, $0x38;
	[tilespmem:$0x15E00] =	vst v63  }
0x16c: {  	s15 =	sadd.s32 $0x10900, s13  }
0x16d: {  	[hbm4b:s14+s3] =	stream.linear.scatter [tilespmem:s15], [sflag:$0x3], $0x80, $0x38;
	[tilespmem:$0x15E00] =	vst v63  }
0x16e: {  	s18 =	sadd.s32 $0x10988, s13;
	s19 =	sadd.s32 $0x10, s14  }
0x16f: {  	[hbm4b:s19+s3] =	stream.linear.scatter [tilespmem:s18], [sflag:$0x3], $0x80, $0x38;
	[tilespmem:$0x15E00] =	vst v63  }
0x170: {  	s20 =	sadd.s32 $0x10A10, s13;
	s21 =	sadd.s32 $0x20, s14  }
0x171: {  	[hbm4b:s21+s3] =	stream.linear.scatter [tilespmem:s20], [sflag:$0x3], $0x80, $0x38;
	[tilespmem:$0x15E00] =	vst v63  }
0x172: {  	s22 =	sadd.s32 $0x10A98, s13;
	s23 =	sadd.s32 $0x30, s14  }
0x173: {  	[hbm4b:s23+s3] =	stream.linear.scatter [tilespmem:s22], [sflag:$0x3], $0x80, $0x38;
	[tilespmem:$0x15E00] =	vst v63  }
0x174: {  	s24 =	sadd.s32 $0x10B20, s13;
	s25 =	sadd.s32 $0x40, s14  }
0x175: {  	[hbm4b:s25+s3] =	stream.linear.scatter [tilespmem:s24], [sflag:$0x3], $0x80, $0x38;
	[tilespmem:$0x15E00] =	vst v63  }
0x176: {  	s26 =	sadd.s32 $0x10BA8, s13;
	s28 =	sadd.s32 $0x50, s14  }
0x177: {  	[hbm4b:s28+s3] =	stream.linear.scatter [tilespmem:s26], [sflag:$0x3], $0x80, $0x38;
	[tilespmem:$0x15E00] =	vst v63  }
0x178: {  	s16 =	sadd.s32 $0x10C30, s13;
	s17 =	sadd.s32 $0x60, s14  }
0x179: {  	[hbm4b:s17+s3] =	stream.linear.scatter [tilespmem:s16], [sflag:$0x3], $0x80, $0x38;
	[tilespmem:$0x15E00] =	vst v63  }
0x17a: {  	s18 =	sadd.s32 $0x10CB8, s13;
	s19 =	sadd.s32 $0x70, s14  }
0x17b: {  	[hbm4b:s19+s3] =	stream.linear.scatter [tilespmem:s18], [sflag:$0x3], $0x80, $0x38;
	[tilespmem:$0x15E00] =	vst v63  }
0x17c: {  	_ =	swait.ge [sflag:s0], $0x1000  }
0x17d: {  	[sflag:s0] =	ssyncset.done $0x0  }
0x17e: {  	[sflag:s0] =	ssyncadd.s32 $0xFFFFF000  }
0x17f: {  	_ =	swait.ge [sflag:s0], $0x1000  }
0x180: {  	[sflag:s0] =	ssyncset.done $0x0  }
0x181: {  	[sflag:s0] =	ssyncadd.s32 $0xFFFFF000  }
0x182: {  	_ =	swait.ge [sflag:s0], $0x1000  }
0x183: {  	[sflag:s0] =	ssyncset.done $0x0  }
0x184: {  	[sflag:s0] =	ssyncadd.s32 $0xFFFFF000  }
0x185: {  	_ =	swait.ge [sflag:s0], $0x1000  }
0x186: {  	[sflag:s0] =	ssyncset.done $0x0  }
0x187: {  	s20 =	simm.s32 $0x0;
	s21 =	simm.s32 $0x0;
	[sflag:s0] =	ssyncadd.s32 $0xFFFFF000  }
0x188: {  	s14 =	sand.u32 $0x78, s20;
	v4 =	vmov s21;
	_ =	swait.ge [sflag:s0], $0x1000  }
0x189: {  	v5 =	vmov s14;
	v4 =	vmul.u32 $0x1100, v4;
	[sflag:s0] =	ssyncset.done $0x0  }
0x18a: {  	s13 =	simm.s32 $0x0;
	v5 =	vshrl.u32 v5, $0x3;
	[sflag:s0] =	ssyncadd.s32 $0xFFFFF000  }
0x18b: {  	s22 =	sor.u32 s14, s13;
	v5 =	vshll.u32 v5, v2;
	v4 =	vbroadcast v4, $0x0;
	_ =	swait.ge [sflag:s5], $0x5000  }
0x18c: {  	s15 =	sshll.u32 s22, $0x5;
	v5 =	vbroadcast v5, $0x0;
	[sflag:s5] =	ssyncset.done $0x0  }
0x18d: {  	s15 =	sand.u32 $0x3FFFFF00, s15;
	v6 =	vadd.s32 v0, v4;
	[sflag:s5] =	ssyncadd.s32 $0xFFFFB000  }
0x18e: {  	s23 =	sor.u32 $0x1, s14;
	v4 =	vadd.s32 v3, v4;
	v8 =	vadd.s32 v6, v5;
	v7 =	vld [tilespmem:s15+$0xB900]  }
0x18f: {  	v9 =	vmov s23;
	v5 =	vadd.s32 v4, v5;
	v10 =	vld [tilespmem:s15+$0xB910]  }
0x190: {  	v9 =	vshrl.u32 v9, $0x3  }
0x191: {  	v9 =	vshll.u32 v9, v2  }
0x192: {  	s24 =	sor.u32 s13, s23;
	v9 =	vbroadcast v9, $0x0  }
0x193: {  	s15 =	sshll.u32 s24, $0x5;
	[tilespmem:v8+s1+$0x0] =	vst.idx.msk $0xffff, v7  }
0x194: {  	s15 =	sand.u32 $0x3FFFFF20, s15;
	v7 =	vadd.s32 v6, v9;
	[tilespmem:v5+s1+$0x0] =	vst.idx.msk $0xffff, v10  }
0x195: {  	s25 =	sor.u32 $0x2, s14;
	v5 =	vadd.s32 v4, v9;
	v7 =	vor.u32 $0x1, v7;
	v8 =	vld [tilespmem:s15+$0xB900]  }
0x196: {  	v9 =	vmov s25;
	v10 =	vld [tilespmem:s15+$0xB910];
	v5 =	vor.u32 $0x1, v5  }
0x197: {  	v9 =	vshrl.u32 v9, $0x3  }
0x198: {  	v9 =	vshll.u32 v9, v2  }
0x199: {  	s26 =	sor.u32 s13, s25;
	v9 =	vbroadcast v9, $0x0  }
0x19a: {  	s15 =	sshll.u32 s26, $0x5;
	[tilespmem:v7+s1+$0x0] =	vst.idx.msk $0xffff, v8  }
0x19b: {  	s15 =	sand.u32 $0x3FFFFF40, s15;
	v7 =	vadd.s32 v6, v9;
	[tilespmem:v5+s1+$0x0] =	vst.idx.msk $0xffff, v10  }
0x19c: {  	s28 =	sor.u32 $0x3, s14;
	v5 =	vadd.s32 v4, v9;
	v7 =	vor.u32 $0x2, v7;
	v8 =	vld [tilespmem:s15+$0xB900]  }
0x19d: {  	v10 =	vmov s28;
	v9 =	vld [tilespmem:s15+$0xB910];
	v5 =	vor.u32 $0x2, v5  }
0x19e: {  	v10 =	vshrl.u32 v10, $0x3  }
0x19f: {  	v10 =	vshll.u32 v10, v2  }
0x1a0: {  	s16 =	sor.u32 s13, s28;
	v10 =	vbroadcast v10, $0x0  }
0x1a1: {  	s15 =	sshll.u32 s16, $0x5;
	[tilespmem:v7+s1+$0x0] =	vst.idx.msk $0xffff, v8  }
0x1a2: {  	s15 =	sand.u32 $0x3FFFFF60, s15;
	[tilespmem:v5+s1+$0x0] =	vst.idx.msk $0xffff, v9;
	v5 =	vadd.s32 v6, v10  }
0x1a3: {  	s17 =	sor.u32 $0x4, s14;
	v7 =	vadd.s32 v4, v10;
	v8 =	vld [tilespmem:s15+$0xB900];
	v5 =	vor.u32 $0x3, v5  }
0x1a4: {  	v9 =	vmov s17;
	v7 =	vor.u32 $0x3, v7;
	v10 =	vld [tilespmem:s15+$0xB910]  }
0x1a5: {  	v9 =	vshrl.u32 v9, $0x3  }
0x1a6: {  	v9 =	vshll.u32 v9, v2  }
0x1a7: {  	s18 =	sor.u32 s13, s17;
	v9 =	vbroadcast v9, $0x0  }
0x1a8: {  	s15 =	sshll.u32 s18, $0x5;
	[tilespmem:v5+s1+$0x0] =	vst.idx.msk $0xffff, v8  }
0x1a9: {  	s15 =	sand.u32 $0x3FFFFF80, s15;
	v5 =	vadd.s32 v6, v9;
	[tilespmem:v7+s1+$0x0] =	vst.idx.msk $0xffff, v10  }
0x1aa: {  	s19 =	sor.u32 $0x5, s14;
	v7 =	vadd.s32 v4, v9;
	v5 =	vor.u32 $0x4, v5;
	v8 =	vld [tilespmem:s15+$0xB900]  }
0x1ab: {  	v9 =	vmov s19;
	v10 =	vld [tilespmem:s15+$0xB910];
	v7 =	vor.u32 $0x4, v7  }
0x1ac: {  	v9 =	vshrl.u32 v9, $0x3  }
0x1ad: {  	v9 =	vshll.u32 v9, v2  }
0x1ae: {  	s20 =	sor.u32 s13, s19;
	v9 =	vbroadcast v9, $0x0  }
0x1af: {  	s15 =	sshll.u32 s20, $0x5;
	[tilespmem:v5+s1+$0x0] =	vst.idx.msk $0xffff, v8  }
0x1b0: {  	s15 =	sand.u32 $0x3FFFFFA0, s15;
	v5 =	vadd.s32 v6, v9;
	[tilespmem:v7+s1+$0x0] =	vst.idx.msk $0xffff, v10  }
0x1b1: {  	s21 =	sor.u32 $0x6, s14;
	v7 =	vadd.s32 v4, v9;
	v5 =	vor.u32 $0x5, v5;
	v8 =	vld [tilespmem:s15+$0xB900]  }
0x1b2: {  	v9 =	vmov s21;
	v10 =	vld [tilespmem:s15+$0xB910];
	v7 =	vor.u32 $0x5, v7  }
0x1b3: {  	v9 =	vshrl.u32 v9, $0x3  }
0x1b4: {  	v9 =	vshll.u32 v9, v2  }
0x1b5: {  	s22 =	sor.u32 s13, s21;
	v9 =	vbroadcast v9, $0x0  }
0x1b6: {  	s15 =	sshll.u32 s22, $0x5;
	[tilespmem:v5+s1+$0x0] =	vst.idx.msk $0xffff, v8  }
0x1b7: {  	s15 =	sand.u32 $0x3FFFFFC0, s15;
	v5 =	vadd.s32 v6, v9;
	[tilespmem:v7+s1+$0x0] =	vst.idx.msk $0xffff, v10  }
0x1b8: {  	s14 =	sor.u32 $0x7, s14;
	v7 =	vadd.s32 v4, v9;
	v5 =	vor.u32 $0x6, v5;
	v8 =	vld [tilespmem:s15+$0xB900]  }
0x1b9: {  	v9 =	vmov s14;
	v10 =	vld [tilespmem:s15+$0xB910];
	v7 =	vor.u32 $0x6, v7  }
0x1ba: {  	v9 =	vshrl.u32 v9, $0x3  }
0x1bb: {  	v9 =	vshll.u32 v9, v2  }
0x1bc: {  	s13 =	sor.u32 s13, s14;
	v9 =	vbroadcast v9, $0x0  }
0x1bd: {  	s13 =	sshll.u32 s13, $0x5;
	[tilespmem:v5+s1+$0x0] =	vst.idx.msk $0xffff, v8  }
0x1be: {  	s23 =	sand.u32 $0x3FFFFFE0, s13;
	s14 =	simm.s32 $0x8;
	v5 =	vadd.s32 v6, v9;
	[tilespmem:v7+s1+$0x0] =	vst.idx.msk $0xffff, v10  }
0x1bf: {  	s22 =	sand.u32 $0x78, s14;
	v4 =	vadd.s32 v4, v9;
	v12 =	vor.u32 $0x7, v5;
	v11 =	vld [tilespmem:s23+$0xB900]  }
0x1c0: {  	s25 =	simm.s32 $0x0;
	s26 =	sor.u32 $0x1, s22;
	v6 =	vor.u32 $0x7, v4  }
0x1c1: {  	s13 =	simm.s32 $0x0;
	s24 =	simm.s32 $0x2;
	s16 =	sor.u32 $0x6, s22;
	v4 =	vmov s25;
	v9 =	vmov s26;
	v5 =	vmov s22;
	v7 =	vld [tilespmem:s23+$0xB910]  }
0x1c2: {  	s18 =	sor.u32 s22, s13;
	s19 =	sor.u32 $0x5, s22;
	s21 =	sor.u32 $0x4, s22;
	v4 =	vmul.u32 $0x1100, v4;
	v10 =	vshrl.u32 v9, $0x3;
	v5 =	vshrl.u32 v5, $0x3  }
0x1c3: {  	s17 =	sor.u32 $0x7, s22;
	s20 =	sor.u32 s13, s26;
	s28 =	sshll.u32 s18, $0x5;
	v10 =	vshll.u32 v10, v2;
	v8 =	vshll.u32 v5, v2  }
0x1c4: {  	s18 =	sor.u32 $0x3, s22;
	s25 =	sand.u32 $0x3FFFFF00, s28;
	s23 =	sshll.u32 s20, $0x5;
	v5 =	vmov s19;
	v9 =	vbroadcast v4, $0x0;
	v4 =	vmov s16;
	[tilespmem:v12+s1+$0x0] =	vst.idx.msk $0xffff, v11  }
.LBB2_11:
0x1c5: {  	s15 =	sor.u32 s13, s19  }
0x1c6: {  	v8 =	vbroadcast v8, $0x0;
	v10 =	vbroadcast v10, $0x0;
	v5 =	vshrl.u32 v5, $0x3;
	s19 =	sor.u32 s13, s16;
	s26 =	sor.u32 s13, s17;
	[tilespmem:v6+s1+$0x0] =	vst.idx.msk $0xffff, v7;
	s16 =	smov.u32 s24  }
0x1c7: {  	v6 =	vadd.s32 v0, v9;
	v7 =	vadd.s32 v3, v9;
	s20 =	sshll.u32 s15, $0x5;
	s19 =	sshll.u32 s19, $0x5;
	v9 =	vmov s17;
	s17 =	sshll.u32 s26, $0x5  }
0x1c8: {  	v4 =	vshrl.u32 v4, $0x3;
	s15 =	sadd.s32 $0x1, s24;
	s26 =	sor.u32 $0x2, s22;
	s22 =	sor.u32 s13, s21;
	v11 =	vld [tilespmem:s25+$0xB900];
	v12 =	vadd.s32 v6, v8;
	v13 =	vadd.s32 v6, v10  }
0x1c9: {  	p0 =	sne.s32 s24, $0x4F;
	v5 =	vshll.u32 v5, v2;
	v8 =	vadd.s32 v7, v8;
	v10 =	vadd.s32 v7, v10;
	s24 =	sor.u32 s13, s26;
	s22 =	sshll.u32 s22, $0x5;
	v14 =	vld [tilespmem:s25+$0xB910]  }
0x1ca: {  	v16 =	vmov s21;
	v15 =	vmov s26;
	v5 =	vbroadcast v5, $0x0;
	s24 =	sshll.u32 s24, $0x5  }
0x1cb: {  	v16 =	vshrl.u32 v16, $0x3;
	v4 =	vshll.u32 v4, v2;
	v15 =	vshrl.u32 v15, $0x3  }
0x1cc: {  	v16 =	vshll.u32 v16, v2;
	v15 =	vshll.u32 v15, v2;
	v17 =	vadd.s32 v6, v5  }
0x1cd: {  	v5 =	vadd.s32 v7, v5;
	[tilespmem:v12+s1+$0x0] =	vst.idx.msk $0xffff, v11;
	v11 =	vbroadcast v15, $0x0;
	v12 =	vbroadcast v16, $0x0  }
0x1ce: {  	s21 =	sand.u32 $0x3FFFFF20, s23;
	v4 =	vbroadcast v4, $0x0;
	[tilespmem:v8+s1+$0x0] =	vst.idx.msk $0xffff, v14;
	v8 =	vshrl.u32 v9, $0x3  }
0x1cf: {  	v13 =	vor.u32 $0x1, v13;
	v9 =	vld [tilespmem:s21+$0xB900];
	v14 =	vadd.s32 v6, v11;
	v11 =	vadd.s32 v7, v11  }
0x1d0: {  	v10 =	vor.u32 $0x1, v10;
	v16 =	vadd.s32 v6, v12;
	v12 =	vadd.s32 v7, v12;
	v15 =	vld [tilespmem:s21+$0xB910]  }
0x1d1: {  	v18 =	vadd.s32 v6, v4;
	v4 =	vadd.s32 v7, v4;
	v8 =	vshll.u32 v8, v2  }
0x1d2: {  	v8 =	vbroadcast v8, $0x0;
	_ =	sdelay $0x1  }
0x1d3: {  	[tilespmem:v13+s1+$0x0] =	vst.idx.msk $0xffff, v9;
	v9 =	vadd.s32 v6, v8;
	v8 =	vadd.s32 v7, v8  }
0x1d4: {  	s21 =	sand.u32 $0x3FFFFF40, s24;
	[tilespmem:v10+s1+$0x0] =	vst.idx.msk $0xffff, v15  }
0x1d5: {  	v13 =	vor.u32 $0x2, v14;
	v10 =	vld [tilespmem:s21+$0xB900]  }
0x1d6: {  	v11 =	vor.u32 $0x2, v11;
	v15 =	vmov s18;
	v14 =	vld [tilespmem:s21+$0xB910]  }
0x1d7: {  	v15 =	vshrl.u32 v15, $0x3  }
0x1d8: {  	v15 =	vshll.u32 v15, v2  }
0x1d9: {  	s13 =	sor.u32 s13, s18;
	v15 =	vbroadcast v15, $0x0  }
0x1da: {  	s13 =	sshll.u32 s13, $0x5;
	[tilespmem:v13+s1+$0x0] =	vst.idx.msk $0xffff, v10  }
0x1db: {  	s13 =	sand.u32 $0x3FFFFF60, s13;
	v6 =	vadd.s32 v6, v15;
	v7 =	vadd.s32 v7, v15;
	[tilespmem:v11+s1+$0x0] =	vst.idx.msk $0xffff, v14  }
0x1dc: {  	v6 =	vor.u32 $0x3, v6;
	v10 =	vld [tilespmem:s13+$0xB900]  }
0x1dd: {  	v7 =	vor.u32 $0x3, v7;
	v11 =	vld [tilespmem:s13+$0xB910];
	_ =	sdelay $0x3  }
0x1de: {  	[tilespmem:v6+s1+$0x0] =	vst.idx.msk $0xffff, v10  }
0x1df: {  	s13 =	sand.u32 $0x3FFFFF80, s22;
	[tilespmem:v7+s1+$0x0] =	vst.idx.msk $0xffff, v11  }
0x1e0: {  	v7 =	vor.u32 $0x4, v16;
	v6 =	vld [tilespmem:s13+$0xB900]  }
0x1e1: {  	v11 =	vor.u32 $0x4, v12;
	v10 =	vld [tilespmem:s13+$0xB910];
	_ =	sdelay $0x3  }
0x1e2: {  	[tilespmem:v7+s1+$0x0] =	vst.idx.msk $0xffff, v6  }
0x1e3: {  	s13 =	sand.u32 $0x3FFFFFA0, s20;
	[tilespmem:v11+s1+$0x0] =	vst.idx.msk $0xffff, v10  }
0x1e4: {  	v7 =	vor.u32 $0x5, v17;
	v6 =	vld [tilespmem:s13+$0xB900]  }
0x1e5: {  	v5 =	vor.u32 $0x5, v5;
	v10 =	vld [tilespmem:s13+$0xB910];
	_ =	sdelay $0x3  }
0x1e6: {  	[tilespmem:v7+s1+$0x0] =	vst.idx.msk $0xffff, v6  }
0x1e7: {  	s13 =	sand.u32 $0x3FFFFFC0, s19;
	[tilespmem:v5+s1+$0x0] =	vst.idx.msk $0xffff, v10  }
0x1e8: {  	v6 =	vor.u32 $0x6, v18;
	v5 =	vld [tilespmem:s13+$0xB900]  }
0x1e9: {  	v4 =	vor.u32 $0x6, v4;
	v7 =	vld [tilespmem:s13+$0xB910];
	_ =	sdelay $0x3  }
0x1ea: {  	[tilespmem:v6+s1+$0x0] =	vst.idx.msk $0xffff, v5  }
0x1eb: {  	s13 =	sand.u32 $0x3FFFFFE0, s17;
	[tilespmem:v4+s1+$0x0] =	vst.idx.msk $0xffff, v7  }
0x1ec: {  	s14 =	sadd.s32 $0x8, s14;
	s16 =	sshrl.u32 s16, $0x4;
	v12 =	vor.u32 $0x7, v9;
	v11 =	vld [tilespmem:s13+$0xB900]  }
.Ltmp4:
0x1ed: {  	s24 =	smov.u32 s15;
	s22 =	sand.u32 $0x78, s14;
	v6 =	vor.u32 $0x7, v8;
	v7 =	vld [tilespmem:s13+$0xB910];
	(pc) =	sbr.rel @p0 .LBB2_11-.Ltmp4, $4  }
0x1ee: {  	s17 =	sor.u32 $0x1, s22;
	v5 =	vmov s22;
	v4 =	vmov s16;
	s13 =	sshll.u32 s16, $0x7;
	s16 =	sor.u32 $0x6, s22  }
0x1ef: {  	s19 =	sor.u32 $0x5, s22;
	v9 =	vmov s17;
	v5 =	vshrl.u32 v5, $0x3;
	v4 =	vmul.u32 $0x1100, v4;
	s18 =	sor.u32 s22, s13;
	s20 =	sor.u32 s13, s17  }
0x1f0: {  	s21 =	sor.u32 $0x4, s22;
	v10 =	vshrl.u32 v9, $0x3;
	v8 =	vshll.u32 v5, v2;
	v5 =	vmov s19;
	s17 =	sshll.u32 s18, $0x5;
	s23 =	sshll.u32 s20, $0x5  }
0x1f1: {  	v10 =	vshll.u32 v10, v2;
	v9 =	vbroadcast v4, $0x0;
	v4 =	vmov s16;
	s18 =	sor.u32 $0x3, s22;
	s25 =	sand.u32 $0x3FFFFF00, s17;
	s17 =	sor.u32 $0x7, s22;
	[tilespmem:v12+s1+$0x0] =	vst.idx.msk $0xffff, v11  }
0x1f2: {  	_ =	sdelay $0x2  }
0x1f3: {  	v8 =	vbroadcast v8, $0x0  }
0x1f4: {  	[tilespmem:v6+s1+$0x0] =	vst.idx.msk $0xffff, v7;
	v41 =	vadd.s32 v0, v9  }
0x1f5: {  	v42 =	vadd.s32 v3, v9;
	v43 =	vld [tilespmem:s25+$0xB900];
	v11 =	vadd.s32 v41, v8  }
0x1f6: {  	v12 =	vld [tilespmem:s25+$0xB910];
	v8 =	vadd.s32 v42, v8;
	_ =	sdelay $0x2  }
0x1f7: {  	v10 =	vbroadcast v10, $0x0  }
0x1f8: {  	[tilespmem:v11+s1+$0x0] =	vst.idx.msk $0xffff, v43  }
0x1f9: {  	s14 =	sand.u32 $0x3FFFFF20, s23;
	v44 =	vadd.s32 v41, v10;
	[tilespmem:v8+s1+$0x0] =	vst.idx.msk $0xffff, v12  }
0x1fa: {  	s15 =	sor.u32 $0x2, s22;
	v45 =	vadd.s32 v42, v10;
	v9 =	vor.u32 $0x1, v44;
	v46 =	vld [tilespmem:s14+$0xB900]  }
0x1fb: {  	v47 =	vmov s15;
	v8 =	vor.u32 $0x1, v45;
	v12 =	vld [tilespmem:s14+$0xB910]  }
0x1fc: {  	v11 =	vshrl.u32 v47, $0x3  }
0x1fd: {  	v11 =	vshll.u32 v11, v2  }
0x1fe: {  	s23 =	sor.u32 s13, s15;
	v11 =	vbroadcast v11, $0x0  }
0x1ff: {  	s14 =	sshll.u32 s23, $0x5;
	[tilespmem:v9+s1+$0x0] =	vst.idx.msk $0xffff, v46  }
0x200: {  	s14 =	sand.u32 $0x3FFFFF40, s14;
	v48 =	vadd.s32 v41, v11;
	[tilespmem:v8+s1+$0x0] =	vst.idx.msk $0xffff, v12  }
0x201: {  	v49 =	vadd.s32 v42, v11;
	v9 =	vor.u32 $0x2, v48;
	v10 =	vld [tilespmem:s14+$0xB900]  }
0x202: {  	v51 =	vmov s18;
	v8 =	vor.u32 $0x2, v49;
	v50 =	vld [tilespmem:s14+$0xB910]  }
0x203: {  	v12 =	vshrl.u32 v51, $0x3  }
0x204: {  	v12 =	vshll.u32 v12, v2  }
0x205: {  	s24 =	sor.u32 s13, s18;
	v12 =	vbroadcast v12, $0x0  }
0x206: {  	s14 =	sshll.u32 s24, $0x5;
	[tilespmem:v9+s1+$0x0] =	vst.idx.msk $0xffff, v10  }
0x207: {  	s14 =	sand.u32 $0x3FFFFF60, s14;
	v52 =	vadd.s32 v41, v12;
	[tilespmem:v8+s1+$0x0] =	vst.idx.msk $0xffff, v50  }
0x208: {  	v53 =	vadd.s32 v42, v12;
	v8 =	vor.u32 $0x3, v52;
	v10 =	vld [tilespmem:s14+$0xB900]  }
0x209: {  	v54 =	vmov s21;
	v9 =	vor.u32 $0x3, v53;
	v55 =	vld [tilespmem:s14+$0xB910]  }
0x20a: {  	v11 =	vshrl.u32 v54, $0x3  }
0x20b: {  	v11 =	vshll.u32 v11, v2  }
0x20c: {  	s25 =	sor.u32 s13, s21;
	v11 =	vbroadcast v11, $0x0  }
0x20d: {  	s14 =	sshll.u32 s25, $0x5;
	[tilespmem:v8+s1+$0x0] =	vst.idx.msk $0xffff, v10  }
0x20e: {  	v56 =	vadd.s32 v41, v11;
	s14 =	sand.u32 $0x3FFFFF80, s14;
	[tilespmem:v9+s1+$0x0] =	vst.idx.msk $0xffff, v55  }
0x20f: {  	v57 =	vadd.s32 v42, v11;
	v8 =	vor.u32 $0x4, v56;
	v10 =	vld [tilespmem:s14+$0xB900]  }
0x210: {  	v9 =	vor.u32 $0x4, v57;
	v58 =	vld [tilespmem:s14+$0xB910]  }
0x211: {  	v5 =	vshrl.u32 v5, $0x3  }
0x212: {  	v5 =	vshll.u32 v5, v2  }
0x213: {  	s26 =	sor.u32 s13, s19;
	v5 =	vbroadcast v5, $0x0  }
0x214: {  	s14 =	sshll.u32 s26, $0x5;
	[tilespmem:v8+s1+$0x0] =	vst.idx.msk $0xffff, v10  }
0x215: {  	v59 =	vadd.s32 v41, v5;
	s14 =	sand.u32 $0x3FFFFFA0, s14;
	[tilespmem:v9+s1+$0x0] =	vst.idx.msk $0xffff, v58  }
0x216: {  	v5 =	vadd.s32 v42, v5;
	v8 =	vor.u32 $0x5, v59;
	v9 =	vld [tilespmem:s14+$0xB900]  }
0x217: {  	v5 =	vor.u32 $0x5, v5;
	v10 =	vld [tilespmem:s14+$0xB910]  }
0x218: {  	v4 =	vshrl.u32 v4, $0x3  }
0x219: {  	v4 =	vshll.u32 v4, v2  }
0x21a: {  	s28 =	sor.u32 s13, s16;
	v4 =	vbroadcast v4, $0x0  }
0x21b: {  	s14 =	sshll.u32 s28, $0x5;
	[tilespmem:v8+s1+$0x0] =	vst.idx.msk $0xffff, v9  }
0x21c: {  	v60 =	vadd.s32 v41, v4;
	s14 =	sand.u32 $0x3FFFFFC0, s14;
	[tilespmem:v5+s1+$0x0] =	vst.idx.msk $0xffff, v10  }
0x21d: {  	v4 =	vadd.s32 v42, v4;
	v8 =	vor.u32 $0x6, v60;
	v5 =	vld [tilespmem:s14+$0xB900]  }
0x21e: {  	v61 =	vmov s17;
	v4 =	vor.u32 $0x6, v4;
	v10 =	vld [tilespmem:s14+$0xB910]  }
0x21f: {  	v9 =	vshrl.u32 v61, $0x3  }
0x220: {  	v9 =	vshll.u32 v9, v2  }
0x221: {  	s14 =	sor.u32 s13, s17;
	v9 =	vbroadcast v9, $0x0  }
0x222: {  	s13 =	sshll.u32 s14, $0x5;
	[tilespmem:v8+s1+$0x0] =	vst.idx.msk $0xffff, v5  }
0x223: {  	s13 =	sand.u32 $0x3FFFFFE0, s13;
	v5 =	vadd.s32 v41, v9;
	[tilespmem:v4+s1+$0x0] =	vst.idx.msk $0xffff, v10  }
0x224: {  	v4 =	vadd.s32 v42, v9;
	v5 =	vor.u32 $0x7, v5;
	v62 =	vld [tilespmem:s13+$0xB900]  }
0x225: {  	v63 =	vld [tilespmem:s13+$0xB910];
	v4 =	vor.u32 $0x7, v4  }
0x226: {  	s11 =	smul.u32 $0x280000, s11;
	_ =	sdelay $0x1  }
0x227: {  	s11 =	sor.u32 s11, s12  }
0x228: {  	s11 =	sshrl.u32 s11, $0x3;
	[tilespmem:v5+s1+$0x0] =	vst.idx.msk $0xffff, v62  }
0x229: {  	s15 =	simm.s32 $0x10900;
	s12 =	sadd.s32 s2, s11;
	[tilespmem:v4+s1+$0x0] =	vst.idx.msk $0xffff, v63  }
0x22a: {  	[hbm4b:s12+s3] =	stream.linear.scatter [tilespmem:s15], [sflag:$0x4], $0x80, $0x38;
	[tilespmem:$0x15E00] =	vst v63  }
0x22b: {  	s16 =	simm.s32 $0x10988;
	s17 =	sadd.s32 $0x10, s12  }
0x22c: {  	[hbm4b:s17+s3] =	stream.linear.scatter [tilespmem:s16], [sflag:$0x4], $0x80, $0x38;
	[tilespmem:$0x15E00] =	vst v63  }
0x22d: {  	s18 =	simm.s32 $0x10A10;
	s20 =	simm.s32 $0x10A98;
	s19 =	sadd.s32 $0x20, s12  }
0x22e: {  	[hbm4b:s19+s3] =	stream.linear.scatter [tilespmem:s18], [sflag:$0x4], $0x80, $0x38;
	[tilespmem:$0x15E00] =	vst v63  }
0x22f: {  	s22 =	simm.s32 $0x10B20;
	s11 =	simm.s32 $0x440;
	s21 =	sadd.s32 $0x30, s12  }
0x230: {  	[hbm4b:s21+s3] =	stream.linear.scatter [tilespmem:s20], [sflag:$0x4], $0x80, $0x38;
	[tilespmem:$0x15E00] =	vst v63  }
0x231: {  	s23 =	sadd.s32 $0x40, s12;
	s24 =	simm.s32 $0x10BA8;
	s25 =	sadd.s32 $0x50, s12  }
0x232: {  	[hbm4b:s23+s3] =	stream.linear.scatter [tilespmem:s22], [sflag:$0x4], $0x80, $0x38;
	[tilespmem:$0x15E00] =	vst v63  }
0x233: {  	s26 =	simm.s32 $0x10C30;
	s28 =	sadd.s32 $0x60, s12;
	s14 =	simm.s32 $0x10CB8  }
0x234: {  	[hbm4b:s25+s3] =	stream.linear.scatter [tilespmem:s24], [sflag:$0x4], $0x80, $0x38;
	[tilespmem:$0x15E00] =	vst v63  }
0x235: {  	s13 =	simm.s32 $0x2200;
	s15 =	sadd.s32 $0x70, s12;
	s12 =	sadd.s32 $0x4000, s12  }
0x236: {  	[hbm4b:s28+s3] =	stream.linear.scatter [tilespmem:s26], [sflag:$0x4], $0x80, $0x38;
	[tilespmem:$0x15E00] =	vst v63  }
.LBB2_13:
0x237: {  	[hbm4b:s15+s3] =	stream.linear.scatter [tilespmem:s14], [sflag:$0x4], $0x80, $0x38;
	[tilespmem:$0x15E00] =	vst v63  }
0x238: {  	s14 =	smov.u32 s11;
	s11 =	smov.u32 s13  }
0x239: {  	s16 =	sadd.s32 $0x1100, s13;
	s11 =	sshra.s32 s11, $0x2;
	s15 =	sadd.s32 $0x10900, s14  }
0x23a: {  	[hbm4b:s12+s3] =	stream.linear.scatter [tilespmem:s15], [sflag:$0x4], $0x80, $0x38;
	[tilespmem:$0x15E00] =	vst v63  }
0x23b: {  	p0 =	sne.s32 s13, $0x14300;
	s13 =	sadd.s32 $0x10988, s14;
	s15 =	sadd.s32 $0x10, s12  }
0x23c: {  	[hbm4b:s15+s3] =	stream.linear.scatter [tilespmem:s13], [sflag:$0x4], $0x80, $0x38;
	[tilespmem:$0x15E00] =	vst v63  }
0x23d: {  	s13 =	sadd.s32 $0x10A10, s14;
	s15 =	sadd.s32 $0x20, s12  }
0x23e: {  	[hbm4b:s15+s3] =	stream.linear.scatter [tilespmem:s13], [sflag:$0x4], $0x80, $0x38;
	[tilespmem:$0x15E00] =	vst v63  }
0x23f: {  	s13 =	sadd.s32 $0x10A98, s14;
	s15 =	sadd.s32 $0x30, s12  }
0x240: {  	[hbm4b:s15+s3] =	stream.linear.scatter [tilespmem:s13], [sflag:$0x4], $0x80, $0x38;
	[tilespmem:$0x15E00] =	vst v63  }
0x241: {  	s13 =	sadd.s32 $0x10B20, s14;
	s15 =	sadd.s32 $0x40, s12  }
0x242: {  	[hbm4b:s15+s3] =	stream.linear.scatter [tilespmem:s13], [sflag:$0x4], $0x80, $0x38;
	[tilespmem:$0x15E00] =	vst v63  }
.Ltmp5:
0x243: {  	s13 =	sadd.s32 $0x10BA8, s14;
	s15 =	sadd.s32 $0x50, s12;
	(pc) =	sbr.rel @p0 .LBB2_13-.Ltmp5, $4  }
0x244: {  	[hbm4b:s15+s3] =	stream.linear.scatter [tilespmem:s13], [sflag:$0x4], $0x80, $0x38;
	[tilespmem:$0x15E00] =	vst v63  }
0x245: {  	s13 =	sadd.s32 $0x10C30, s14;
	s15 =	sadd.s32 $0x60, s12;
	s14 =	sadd.s32 $0x10CB8, s14  }
0x246: {  	[hbm4b:s15+s3] =	stream.linear.scatter [tilespmem:s13], [sflag:$0x4], $0x80, $0x38;
	[tilespmem:$0x15E00] =	vst v63  }
0x247: {  	s15 =	sadd.s32 $0x70, s12;
	s12 =	sadd.s32 $0x4000, s12;
	s13 =	smov.u32 s16  }
0x248: {  	[hbm4b:s15+s3] =	stream.linear.scatter [tilespmem:s14], [sflag:$0x4], $0x80, $0x38;
	[tilespmem:$0x15E00] =	vst v63  }
0x249: {  	s13 =	sadd.s32 $0x10900, s11  }
0x24a: {  	[hbm4b:s12+s3] =	stream.linear.scatter [tilespmem:s13], [sflag:$0x4], $0x80, $0x38;
	[tilespmem:$0x15E00] =	vst v63  }
0x24b: {  	s14 =	sadd.s32 $0x10988, s11;
	s15 =	sadd.s32 $0x10, s12  }
0x24c: {  	[hbm4b:s15+s3] =	stream.linear.scatter [tilespmem:s14], [sflag:$0x4], $0x80, $0x38;
	[tilespmem:$0x15E00] =	vst v63  }
0x24d: {  	s16 =	sadd.s32 $0x10A10, s11;
	s17 =	sadd.s32 $0x20, s12  }
0x24e: {  	[hbm4b:s17+s3] =	stream.linear.scatter [tilespmem:s16], [sflag:$0x4], $0x80, $0x38;
	[tilespmem:$0x15E00] =	vst v63  }
0x24f: {  	s18 =	sadd.s32 $0x10A98, s11;
	s19 =	sadd.s32 $0x30, s12  }
0x250: {  	[hbm4b:s19+s3] =	stream.linear.scatter [tilespmem:s18], [sflag:$0x4], $0x80, $0x38;
	[tilespmem:$0x15E00] =	vst v63  }
0x251: {  	s20 =	sadd.s32 $0x10B20, s11;
	s21 =	sadd.s32 $0x40, s12;
	s10 =	sadd.s32 $0x1, s10  }
0x252: {  	[hbm4b:s21+s3] =	stream.linear.scatter [tilespmem:s20], [sflag:$0x4], $0x80, $0x38;
	[tilespmem:$0x15E00] =	vst v63  }
0x253: {  	s22 =	sadd.s32 $0x10BA8, s11;
	s23 =	sadd.s32 $0x50, s12;
	p0 =	sne.s32 s10, $0x14  }
0x254: {  	[hbm4b:s23+s3] =	stream.linear.scatter [tilespmem:s22], [sflag:$0x4], $0x80, $0x38;
	[tilespmem:$0x15E00] =	vst v63  }
.Ltmp6:
0x255: {  	_ = 	snop;
	(pc) =	sbr.rel @p0 .LBB2_2-.Ltmp6, $4  }
0x256: {  	s24 =	sadd.s32 $0x10C30, s11;
	s25 =	sadd.s32 $0x60, s12;
	s26 =	sadd.s32 $0x10CB8, s11  }
0x257: {  	[hbm4b:s25+s3] =	stream.linear.scatter [tilespmem:s24], [sflag:$0x4], $0x80, $0x38;
	[tilespmem:$0x15E00] =	vst v63  }
0x258: {  	s28 =	sadd.s32 $0x70, s12;
	s8 =	sadd.s32 $0xA, s8;
	s7 =	sadd.s32 $0x2, s7  }
0x259: {  	[hbm4b:s28+s3] =	stream.linear.scatter [tilespmem:s26], [sflag:$0x4], $0x80, $0x38;
	[tilespmem:$0x15E00] =	vst v63  }
0x25a: {  	s8 =	simm.s32 $0x4  }
0x25b: {  	_ =	swait.ge [sflag:s8], $0x5000  }
0x25c: {  	s10 =	rddreg [dreg:$0x5]  }
0x25d: {  	s7 =	rddreg [dreg:$0x4];
	s10 =	sadd.s32 $0x1, s10  }
0x25e: {  	p0 =	sne.s32 s10, s7  }
.Ltmp7:
0x25f: {  	_ = 	snop;
	(pc) =	sbr.rel @p0 .LBB2_1-.Ltmp7, $3  }
0x260: {  	_ =	sdelay $0x1  }
0x261: {  	[sflag:s8] =	ssyncset.done $0x0  }
0x262: {  	[sflag:s8] =	ssyncadd.s32 $0xFFFFB000  }
0x263: {  	_ =	sfence.sel $0x180000  }
0x264: {  	[bflag:$0x0] =	sbarrier.arrive $0xFFFF  }
0x265: {  	_ =	strace $0x90000047  }
0x266: {  	s0 =	stileid.u32;
	[bflag:$0x2] =	sbarrier.arrive $0xFFFF  }
0x267: {  	p0 =	sne.s32 s0, $0x0;
	s0 =	rddreg [dreg:$0x2]  }
0x268: {  	s0 =	sadd.s32 @!p0 $0x100000, s0  }
0x269: {  	[sflag:s0] =	ssyncadd.tile.s32 @!p0 $0x1;
	_ =	shalt  }
.Lfunc_end2:
_tile_overlayer_lowered:
.L_overlay_start_2:
0x26a: {  	(tag) =	ssettag $0x2  }
0x26b: {  	s0 =	rddreg [dreg:$0x0];
	s2 =	stileid.u32  }
0x26c: {  	s1 =	rddreg [dreg:$0x1];
	p0 =	sne.s32 s2, $0x0  }
0x26d: {  	s3 =	rddreg [dreg:$0x2];
	[bflag:$0x3] =	sbarrier.arrive $0xFFFF;
	s2 =	simm.s32 @!p0 $0x1C05  }
0x26e: {  	[timem:s3], [sflag:s2] =	dma.local @!p0 [hbm:s0], s1  }
0x26f: {  	s0 =	simm.s32 @!p0 $0x5  }
0x270: {  	_ =	swait.ge @!p0 [sflag:s0], s1  }
0x271: {  	s1 =	ssub.s32 @!p0 $0x0, s1;
	[sflag:s0] =	ssyncset.done @!p0 $0x0  }
0x272: {  	[sflag:s0] =	ssyncadd.s32 @!p0 s1  }
0x273: {  	[bflag:$0x3] =	sbarrier.arrive $0xFFFF  }
0x274: {  	_ =	shalt  }

</sc_bundles>
